<compile_context>
chip_gen: v7x
topology: tpu7x:2x2x1
jax: 0.10.2.dev20260603
libtpu: 0.0.44.dev20260713+nightly
codegen_flags: <defaults>
</compile_context>

<pallas_src>
import functools

import jax
import jax.numpy as jnp
from jax import lax
from jax.experimental import pallas as pl
from jax.experimental.pallas import tpu as pltpu
from jax.experimental.pallas import tpu_sc as plsc

VOCAB = 65536
EMBED = 32
BATCH = 16384
MAX_HAND = 7
MAX_DECK = 60
NCOL = MAX_HAND + MAX_DECK
XCOL = 1 + NCOL

NC = 2
NS = 16
NW = NC * NS
BPW = BATCH // NW
CHUNK = 128
NQ0 = BPW // CHUNK
NCH = NQ0 * XCOL
NGATH = NQ0 * NCOL


def _sc_pool(table, idx3):
  mesh = plsc.VectorSubcoreMesh(core_axis_name="c", subcore_axis_name="s")

  @functools.partial(
      pl.kernel,
      out_type=[
          jax.ShapeDtypeStruct((BATCH, EMBED), jnp.float32),
          jax.ShapeDtypeStruct((BATCH, EMBED), jnp.float32),
      ],
      mesh=mesh,
      compiler_params=pltpu.CompilerParams(use_tc_tiling_on_sc=False),
      scratch_types=[
          pltpu.VMEM((NCH, CHUNK), jnp.int32),
          pltpu.VMEM((BPW, EMBED), jnp.float32),
          pltpu.VMEM((BPW, EMBED), jnp.float32),
          pltpu.SemaphoreType.DMA,
          pltpu.SemaphoreType.DMA,
      ],
  )
  def sc_kernel(table_hbm, idx_hbm, hand_hbm, deck_hbm,
                idx_v, hacc, dacc, gsem, osem):
    wid = lax.axis_index("s") * NC + lax.axis_index("c")
    pltpu.sync_copy(idx_hbm.at[wid], idx_v)

    zv = jnp.zeros((16,), jnp.float32)

    def zero_row(i, carry):
      hacc[i, 0:16] = zv
      hacc[i, 16:EMBED] = zv
      dacc[i, 0:16] = zv
      dacc[i, 16:EMBED] = zv
      return carry

    lax.fori_loop(0, BPW, zero_row, 0)

    for q in range(NQ0):
      hdst = hacc.at[pl.ds(q * CHUNK, CHUNK)]
      ddst = dacc.at[pl.ds(q * CHUNK, CHUNK)]

      def hand_stream(jj, carry, q=q, hdst=hdst):
        pltpu.async_copy(table_hbm.at[idx_v.at[q * XCOL + jj]], hdst, gsem,
                         add=True)
        return carry

      def deck_stream(jj, carry, q=q, ddst=ddst):
        pltpu.async_copy(table_hbm.at[idx_v.at[q * XCOL + jj]], ddst, gsem,
                         add=True)
        return carry

      lax.fori_loop(1, 1 + MAX_HAND, hand_stream, 0)
      lax.fori_loop(1 + MAX_HAND, XCOL, deck_stream, 0)

    def drain(i, carry):
      pltpu.make_async_copy(
          table_hbm.at[pl.ds(0, CHUNK)],
          hacc.at[pl.ds(0, CHUNK)], gsem).wait()
      return carry

    lax.fori_loop(0, NGATH, drain, 0)

    out_base = wid * BPW
    cp_h = pltpu.async_copy(hacc, hand_hbm.at[pl.ds(out_base, BPW)], osem)
    cp_d = pltpu.async_copy(dacc, deck_hbm.at[pl.ds(out_base, BPW)], osem)
    cp_h.wait()
    cp_d.wait()

  return sc_kernel(table, idx3)


def _fmt_body(x_ref, idx_ref):
  xi = x_ref[...].astype(jnp.int32)
  for q in range(NQ0):
    idx_ref[0, q * XCOL:(q + 1) * XCOL, :] = (
        xi[q * CHUNK:(q + 1) * CHUNK, :].T)


def _format_idx(x, interpret=False):
  return pl.pallas_call(
      _fmt_body,
      grid=(NW,),
      in_specs=[pl.BlockSpec((BPW, XCOL), lambda i: (i, 0))],
      out_specs=pl.BlockSpec((1, NCH, CHUNK), lambda i: (i, 0, 0)),
      out_shape=jax.ShapeDtypeStruct((NW, NCH, CHUNK), jnp.int32),
      interpret=interpret,
  )(x)


def _dg(a, w, precision):
  return lax.dot_general(a, w, (((1,), (1,)), ((), ())),
                         precision=precision,
                         preferred_element_type=jnp.float32)


def _bf(a):
  return a.astype(jnp.bfloat16)


def _dgbf(a, w):
  return lax.dot_general(_bf(a), _bf(w), (((1,), (1,)), ((), ())),
                         preferred_element_type=jnp.float32)


def _tc_mlp_body(x_ref, hs_ref, ds_ref, sel_ref, hW_ref, hb_ref, dW_ref,
                 db_ref, f1W_ref, f1b_ref, f2W_ref, f2b_ref, oW_ref,
                 ob_ref, out_ref):
  xb = x_ref[...]
  mull = xb[:, 0:1]
  mask = (xb != 0.0).astype(jnp.float32)
  cnt = _dgbf(mask, sel_ref[...])
  hp = hs_ref[...] / (cnt[:, 0:1] + 1e-8)
  dp = ds_ref[...] / (cnt[:, 1:2] + 1e-8)
  hf = jnp.maximum(_dgbf(hp, hW_ref[...]) + hb_ref[...][None, :], 0.0)
  df = jnp.maximum(_dgbf(dp, dW_ref[...]) + db_ref[...][None, :], 0.0)
  comb = jnp.concatenate([mull, hf, df], axis=1)
  h1 = jnp.maximum(_dgbf(comb, f1W_ref[...]) + f1b_ref[...][None, :], 0.0)
  h2 = jnp.maximum(_dgbf(h1, f2W_ref[...]) + f2b_ref[...][None, :], 0.0)
  out_ref[...] = _dgbf(h2, oW_ref[...]) + ob_ref[...][None, :]


def _tc_mlp(x, hand_sum, deck_sum, sel, hand_W, hand_b, deck_W, deck_b,
            fc1_W, fc1_b, fc2_W, fc2_b, out_W, out_b, interpret=False):
  bb = 4096
  grid = (BATCH // bb,)
  full = lambda a: pl.BlockSpec(a.shape, lambda i: (0,) * a.ndim)
  return pl.pallas_call(
      _tc_mlp_body,
      grid=grid,
      in_specs=[
          pl.BlockSpec((bb, XCOL), lambda i: (i, 0)),
          pl.BlockSpec((bb, EMBED), lambda i: (i, 0)),
          pl.BlockSpec((bb, EMBED), lambda i: (i, 0)),
          full(sel), full(hand_W), full(hand_b), full(deck_W),
          full(deck_b), full(fc1_W), full(fc1_b), full(fc2_W),
          full(fc2_b), full(out_W), full(out_b),
      ],
      out_specs=pl.BlockSpec((bb, 2), lambda i: (i, 0)),
      out_shape=jax.ShapeDtypeStruct((BATCH, 2), jnp.float32),
      interpret=interpret,
  )(x, hand_sum, deck_sum, sel, hand_W, hand_b, deck_W, deck_b,
    fc1_W, fc1_b, fc2_W, fc2_b, out_W, out_b)


def _count_selector():
  sel = jnp.zeros((2, XCOL), jnp.float32)
  sel = sel.at[0, 1:1 + MAX_HAND].set(1.0)
  sel = sel.at[1, 1 + MAX_HAND:].set(1.0)
  return sel


def kernel(x, table, hand_W, hand_b, deck_W, deck_b, fc1_W, fc1_b,
           fc2_W, fc2_b, out_W, out_b):
  idx3 = _format_idx(x)
  hand_sum, deck_sum = _sc_pool(table, idx3)
  return _tc_mlp(x, hand_sum, deck_sum, _count_selector(), hand_W, hand_b,
                 deck_W, deck_b, fc1_W, fc1_b, fc2_W, fc2_b, out_W, out_b)

# --- scband reference (transcript-rebuilt; emitter-appended) ---
"""Pipeline reference for scband-mulligan-net-46815143526648 (READ-ONLY COPY).

The authoritative reference and input builder live on the scoring server;
editing this copy changes nothing except your own understanding.
"""

import jax, jax.numpy as jnp
import numpy as np

VOCAB = 65536
EMBED = 32
BATCH = 16384
MAX_HAND = 7
MAX_DECK = 60


def setup_inputs(seed: int = 0) -> dict:
    key = jax.random.key(seed)
    ks = jax.random.split(key, 12)
    x = jax.random.randint(ks[0], (BATCH, 1 + MAX_HAND + MAX_DECK), 0, VOCAB).astype(jnp.float32)
    table = jax.random.normal(ks[1], (VOCAB, EMBED), dtype=jnp.float32) * 0.02
    table = table.at[0].set(0.0)  # padding_idx=0
    hand_W = jax.random.normal(ks[2], (32, EMBED), dtype=jnp.float32) * 0.1
    hand_b = jnp.zeros((32,), dtype=jnp.float32)
    deck_W = jax.random.normal(ks[3], (32, EMBED), dtype=jnp.float32) * 0.1
    deck_b = jnp.zeros((32,), dtype=jnp.float32)
    fc1_W = jax.random.normal(ks[4], (64, 1 + 32 + 32), dtype=jnp.float32) * 0.1
    fc1_b = jnp.zeros((64,), dtype=jnp.float32)
    fc2_W = jax.random.normal(ks[5], (32, 64), dtype=jnp.float32) * 0.1
    fc2_b = jnp.zeros((32,), dtype=jnp.float32)
    out_W = jax.random.normal(ks[6], (2, 32), dtype=jnp.float32) * 0.1
    out_b = jnp.zeros((2,), dtype=jnp.float32)
    return {"x": x, "table": table, "hand_W": hand_W, "hand_b": hand_b,
            "deck_W": deck_W, "deck_b": deck_b, "fc1_W": fc1_W, "fc1_b": fc1_b,
            "fc2_W": fc2_W, "fc2_b": fc2_b, "out_W": out_W, "out_b": out_b}


def reference(x, table, hand_W, hand_b, deck_W, deck_b, fc1_W, fc1_b, fc2_W, fc2_b, out_W, out_b):
    mulligan_num = x[:, 0:1]
    hand_ids = x[:, 1:1 + MAX_HAND].astype(jnp.int32)
    deck_ids = x[:, 1 + MAX_HAND:1 + MAX_HAND + MAX_DECK].astype(jnp.int32)
    hand_embeds = jnp.take(table, hand_ids, axis=0)
    deck_embeds = jnp.take(table, deck_ids, axis=0)
    hand_mask = (hand_ids != 0).astype(jnp.float32)[..., None]
    deck_mask = (deck_ids != 0).astype(jnp.float32)[..., None]
    hand_pool = (hand_embeds * hand_mask).sum(axis=1) / (hand_mask.sum(axis=1) + 1e-08)
    deck_pool = (deck_embeds * deck_mask).sum(axis=1) / (deck_mask.sum(axis=1) + 1e-08)
    hand_feat = jax.nn.relu(hand_pool @ hand_W.T + hand_b)
    deck_feat = jax.nn.relu(deck_pool @ deck_W.T + deck_b)
    combined = jnp.concatenate([mulligan_num, hand_feat, deck_feat], axis=1)
    h = jax.nn.relu(combined @ fc1_W.T + fc1_b)
    h = jax.nn.relu(h @ fc2_W.T + fc2_b)
    return h @ out_W.T + out_b

if __name__ == "__main__":
    import jax
    _d = setup_inputs()
    print(jax.jit(kernel)(*tuple(_d.values())))

</pallas_src>

<mosaic_0001>
#map = affine_map<(d0, d1) -> (0, 0)>
#map1 = affine_map<(d0, d1) -> (0, 0, 0)>
module attributes {stable_mosaic.version = 14 : i64} {
  func.func @sc_kernel(%arg0: i32, %arg1: i32, %arg2: memref<65536x32xf32, #tpu.memory_space<hbm>>, %arg3: memref<32x272x128xi32, #tpu.memory_space<hbm>>, %arg4: memref<16384x32xf32, #tpu.memory_space<hbm>>, %arg5: memref<16384x32xf32, #tpu.memory_space<hbm>>, %arg6: memref<272x128xi32, #tpu.memory_space<vmem>>, %arg7: memref<512x32xf32, #tpu.memory_space<vmem>>, %arg8: memref<512x32xf32, #tpu.memory_space<vmem>>, %arg9: memref<!tpu.dma_semaphore, #tpu.memory_space<semaphore_mem>>, %arg10: memref<!tpu.dma_semaphore, #tpu.memory_space<semaphore_mem>>) attributes {dimension_semantics = [#tpu.dimension_semantics<core_parallel>, #tpu.dimension_semantics<subcore_parallel>], iteration_bounds = array<i64: 2, 16>, scalar_prefetch = 0 : i64, scratch_operands = 5 : i64, tpu.core_type = #tpu.core_type<sc_vector_subcore>, window_params = [{transform_indices = #map}, {transform_indices = #map1}, {transform_indices = #map}, {transform_indices = #map}]} {
    %mul3A = arith.constant 2 : i32
    %mul3A_0 = arith.muli %arg1, %mul3A : i32
    %add3A = arith.addi %mul3A_0, %arg0 : i32
    "tpu.region"() ({
      %run_scoped3A = tpu.sem_alloc : memref<!tpu.dma_semaphore, #tpu.memory_space<semaphore_mem>>
      %dma_start3A_77 = arith.constant 0 : i32
      %dma_start3A_78 = arith.constant 0 : i32
      %dma_start3A_79 = tpu.memref_slice %arg3[%add3A, %dma_start3A_77, %dma_start3A_78] : memref<32x272x128xi32, #tpu.memory_space<hbm>> -> memref<1x272x128xi32, #tpu.memory_space<hbm>>
      %dma_start3A_80 = tpu.memref_squeeze %dma_start3A_79 : memref<1x272x128xi32, #tpu.memory_space<hbm>> -> memref<272x128xi32, #tpu.memory_space<hbm>>
      %dma_start3A_81 = arith.constant 0 : i32
      %dma_start3A_82 = arith.constant 0 : i32
      %dma_start3A_83 = tpu.memref_slice %arg3[%add3A, %dma_start3A_81, %dma_start3A_82] : memref<32x272x128xi32, #tpu.memory_space<hbm>> -> memref<1x272x128xi32, #tpu.memory_space<hbm>>
      %dma_start3A_84 = tpu.memref_squeeze %dma_start3A_83 : memref<1x272x128xi32, #tpu.memory_space<hbm>> -> memref<272x128xi32, #tpu.memory_space<hbm>>
      tpu.enqueue_dma source(%dma_start3A_84 : memref<272x128xi32, #tpu.memory_space<hbm>>) target(%arg6 : memref<272x128xi32, #tpu.memory_space<vmem>>) target_semaphore(%run_scoped3A : memref<!tpu.dma_semaphore, #tpu.memory_space<semaphore_mem>>)
      %dma_wait3A_85 = arith.constant 0 : i32
      %dma_wait3A_86 = arith.constant 0 : i32
      %dma_wait3A_87 = tpu.memref_slice %arg3[%add3A, %dma_wait3A_85, %dma_wait3A_86] : memref<32x272x128xi32, #tpu.memory_space<hbm>> -> memref<1x272x128xi32, #tpu.memory_space<hbm>>
      %dma_wait3A_88 = tpu.memref_squeeze %dma_wait3A_87 : memref<1x272x128xi32, #tpu.memory_space<hbm>> -> memref<272x128xi32, #tpu.memory_space<hbm>>
      %dma_wait3A_89 = arith.constant 0 : i32
      %dma_wait3A_90 = arith.constant 0 : i32
      %dma_wait3A_91 = tpu.memref_slice %arg3[%add3A, %dma_wait3A_89, %dma_wait3A_90] : memref<32x272x128xi32, #tpu.memory_space<hbm>> -> memref<1x272x128xi32, #tpu.memory_space<hbm>>
      %dma_wait3A_92 = tpu.memref_squeeze %dma_wait3A_91 : memref<1x272x128xi32, #tpu.memory_space<hbm>> -> memref<272x128xi32, #tpu.memory_space<hbm>>
      tpu.wait_dma2 semaphore(%run_scoped3A : memref<!tpu.dma_semaphore, #tpu.memory_space<semaphore_mem>>) src(%dma_wait3A_92 : memref<272x128xi32, #tpu.memory_space<hbm>>) dst(%arg6 : memref<272x128xi32, #tpu.memory_space<vmem>>)
      tpu.yield
    }) : () -> ()
    %broadcast_in_dim3A = arith.constant 0.000000e+00 : f32
    %broadcast_in_dim3A_1 = vector.broadcast %broadcast_in_dim3A : f32 to vector<16xf32>
    %scan3A = arith.constant 0 : i32
    %scan3A_2 = arith.constant 0 : i32
    %scan3A_3 = arith.constant 512 : i32
    %scan3A_4 = arith.addi %scan3A_2, %scan3A_3 : i32
    %scan3A_5 = arith.constant 1 : i32
    scf.for %scan3A_77 = %scan3A_2 to %scan3A_4 step %scan3A_5  : i32 {
      %swap3A = arith.index_cast %scan3A_77 : i32 to index
      %swap3A_78 = arith.constant 0 : index
      %swap3A_79 = tpu.vector_load %arg7[%swap3A, %swap3A_78] {strides = array<i32>} : memref<512x32xf32, #tpu.memory_space<vmem>>, vector<1x16xf32>,
      %swap3A_80 = vector.shape_cast %swap3A_79 : vector<1x16xf32> to vector<16xf32>
      %swap3A_81 = vector.shape_cast %broadcast_in_dim3A_1 : vector<16xf32> to vector<1x16xf32>
      tpu.vector_store %arg7[%swap3A, %swap3A_78], %swap3A_81 {strides = array<i32>} : memref<512x32xf32, #tpu.memory_space<vmem>>, vector<1x16xf32>,
      %swap3A_82 = arith.index_cast %scan3A_77 : i32 to index
      %swap3A_83 = arith.constant 16 : index
      %swap3A_84 = tpu.vector_load %arg7[%swap3A_82, %swap3A_83] {strides = array<i32>} : memref<512x32xf32, #tpu.memory_space<vmem>>, vector<1x16xf32>,
      %swap3A_85 = vector.shape_cast %swap3A_84 : vector<1x16xf32> to vector<16xf32>
      %swap3A_86 = vector.shape_cast %broadcast_in_dim3A_1 : vector<16xf32> to vector<1x16xf32>
      tpu.vector_store %arg7[%swap3A_82, %swap3A_83], %swap3A_86 {strides = array<i32>} : memref<512x32xf32, #tpu.memory_space<vmem>>, vector<1x16xf32>,
      %swap3A_87 = arith.index_cast %scan3A_77 : i32 to index
      %swap3A_88 = arith.constant 0 : index
      %swap3A_89 = tpu.vector_load %arg8[%swap3A_87, %swap3A_88] {strides = array<i32>} : memref<512x32xf32, #tpu.memory_space<vmem>>, vector<1x16xf32>,
      %swap3A_90 = vector.shape_cast %swap3A_89 : vector<1x16xf32> to vector<16xf32>
      %swap3A_91 = vector.shape_cast %broadcast_in_dim3A_1 : vector<16xf32> to vector<1x16xf32>
      tpu.vector_store %arg8[%swap3A_87, %swap3A_88], %swap3A_91 {strides = array<i32>} : memref<512x32xf32, #tpu.memory_space<vmem>>, vector<1x16xf32>,
      %swap3A_92 = arith.index_cast %scan3A_77 : i32 to index
      %swap3A_93 = arith.constant 16 : index
      %swap3A_94 = tpu.vector_load %arg8[%swap3A_92, %swap3A_93] {strides = array<i32>} : memref<512x32xf32, #tpu.memory_space<vmem>>, vector<1x16xf32>,
      %swap3A_95 = vector.shape_cast %swap3A_94 : vector<1x16xf32> to vector<16xf32>
      %swap3A_96 = vector.shape_cast %broadcast_in_dim3A_1 : vector<16xf32> to vector<1x16xf32>
      tpu.vector_store %arg8[%swap3A_92, %swap3A_93], %swap3A_96 {strides = array<i32>} : memref<512x32xf32, #tpu.memory_space<vmem>>, vector<1x16xf32>,
    }
    %scan3A_6 = arith.constant 512 : i32
    %scan3A_7 = arith.constant 0 : i32
    %scan3A_8 = arith.constant 1 : i32
    %scan3A_9 = arith.constant 7 : i32
    %scan3A_10 = arith.addi %scan3A_8, %scan3A_9 : i32
    %scan3A_11 = arith.constant 1 : i32
    scf.for %scan3A_77 = %scan3A_8 to %scan3A_10 step %scan3A_11  : i32 {
      %add3A_78 = arith.constant 0 : i32
      %add3A_79 = arith.addi %add3A_78, %scan3A_77 : i32
      %dma_start3A_80 = arith.constant 0 : i32
      %dma_start3A_81 = arith.constant 0 : i32
      %dma_start3A_82 = tpu.memref_slice %arg7[%dma_start3A_80, %dma_start3A_81] : memref<512x32xf32, #tpu.memory_space<vmem>> -> memref<128x32xf32, #tpu.memory_space<vmem>>
      %dma_start3A_83 = arith.constant 0 : i32
      %dma_start3A_84 = tpu.memref_slice %arg6[%add3A_79, %dma_start3A_83] : memref<272x128xi32, #tpu.memory_space<vmem>> -> memref<1x128xi32, #tpu.memory_space<vmem>>
      %dma_start3A_85 = tpu.memref_squeeze %dma_start3A_84 : memref<1x128xi32, #tpu.memory_space<vmem>> -> memref<128xi32, #tpu.memory_space<vmem>>
      %dma_start3A_86 = arith.constant 0 : i32
      %dma_start3A_87 = arith.constant 0 : i32
      %dma_start3A_88 = tpu.memref_slice %arg2[%dma_start3A_86, %dma_start3A_87] : memref<65536x32xf32, #tpu.memory_space<hbm>> -> memref<65536x32xf32, #tpu.memory_space<hbm>>
      tpu.enqueue_indirect_dma source(%dma_start3A_88 : memref<65536x32xf32, #tpu.memory_space<hbm>>) target(%dma_start3A_82 : memref<128x32xf32, #tpu.memory_space<vmem>>) offsets(%dma_start3A_85 : memref<128xi32, #tpu.memory_space<vmem>>) semaphore(%arg9 : memref<!tpu.dma_semaphore, #tpu.memory_space<semaphore_mem>>) {add = true}
    }
    %scan3A_12 = arith.constant 7 : i32
    %scan3A_13 = arith.constant 0 : i32
    %scan3A_14 = arith.constant 8 : i32
    %scan3A_15 = arith.constant 60 : i32
    %scan3A_16 = arith.addi %scan3A_14, %scan3A_15 : i32
    %scan3A_17 = arith.constant 1 : i32
    scf.for %scan3A_77 = %scan3A_14 to %scan3A_16 step %scan3A_17  : i32 {
      %add3A_78 = arith.constant 0 : i32
      %add3A_79 = arith.addi %add3A_78, %scan3A_77 : i32
      %dma_start3A_80 = arith.constant 0 : i32
      %dma_start3A_81 = arith.constant 0 : i32
      %dma_start3A_82 = tpu.memref_slice %arg8[%dma_start3A_80, %dma_start3A_81] : memref<512x32xf32, #tpu.memory_space<vmem>> -> memref<128x32xf32, #tpu.memory_space<vmem>>
      %dma_start3A_83 = arith.constant 0 : i32
      %dma_start3A_84 = tpu.memref_slice %arg6[%add3A_79, %dma_start3A_83] : memref<272x128xi32, #tpu.memory_space<vmem>> -> memref<1x128xi32, #tpu.memory_space<vmem>>
      %dma_start3A_85 = tpu.memref_squeeze %dma_start3A_84 : memref<1x128xi32, #tpu.memory_space<vmem>> -> memref<128xi32, #tpu.memory_space<vmem>>
      %dma_start3A_86 = arith.constant 0 : i32
      %dma_start3A_87 = arith.constant 0 : i32
      %dma_start3A_88 = tpu.memref_slice %arg2[%dma_start3A_86, %dma_start3A_87] : memref<65536x32xf32, #tpu.memory_space<hbm>> -> memref<65536x32xf32, #tpu.memory_space<hbm>>
      tpu.enqueue_indirect_dma source(%dma_start3A_88 : memref<65536x32xf32, #tpu.memory_space<hbm>>) target(%dma_start3A_82 : memref<128x32xf32, #tpu.memory_space<vmem>>) offsets(%dma_start3A_85 : memref<128xi32, #tpu.memory_space<vmem>>) semaphore(%arg9 : memref<!tpu.dma_semaphore, #tpu.memory_space<semaphore_mem>>) {add = true}
    }
    %scan3A_18 = arith.constant 60 : i32
    %scan3A_19 = arith.constant 0 : i32
    %scan3A_20 = arith.constant 1 : i32
    %scan3A_21 = arith.constant 7 : i32
    %scan3A_22 = arith.addi %scan3A_20, %scan3A_21 : i32
    %scan3A_23 = arith.constant 1 : i32
    scf.for %scan3A_77 = %scan3A_20 to %scan3A_22 step %scan3A_23  : i32 {
      %add3A_78 = arith.constant 68 : i32
      %add3A_79 = arith.addi %add3A_78, %scan3A_77 : i32
      %dma_start3A_80 = arith.constant 128 : i32
      %dma_start3A_81 = arith.constant 0 : i32
      %dma_start3A_82 = tpu.memref_slice %arg7[%dma_start3A_80, %dma_start3A_81] : memref<512x32xf32, #tpu.memory_space<vmem>> -> memref<128x32xf32, #tpu.memory_space<vmem>>
      %dma_start3A_83 = arith.constant 0 : i32
      %dma_start3A_84 = tpu.memref_slice %arg6[%add3A_79, %dma_start3A_83] : memref<272x128xi32, #tpu.memory_space<vmem>> -> memref<1x128xi32, #tpu.memory_space<vmem>>
      %dma_start3A_85 = tpu.memref_squeeze %dma_start3A_84 : memref<1x128xi32, #tpu.memory_space<vmem>> -> memref<128xi32, #tpu.memory_space<vmem>>
      %dma_start3A_86 = arith.constant 0 : i32
      %dma_start3A_87 = arith.constant 0 : i32
      %dma_start3A_88 = tpu.memref_slice %arg2[%dma_start3A_86, %dma_start3A_87] : memref<65536x32xf32, #tpu.memory_space<hbm>> -> memref<65536x32xf32, #tpu.memory_space<hbm>>
      tpu.enqueue_indirect_dma source(%dma_start3A_88 : memref<65536x32xf32, #tpu.memory_space<hbm>>) target(%dma_start3A_82 : memref<128x32xf32, #tpu.memory_space<vmem>>) offsets(%dma_start3A_85 : memref<128xi32, #tpu.memory_space<vmem>>) semaphore(%arg9 : memref<!tpu.dma_semaphore, #tpu.memory_space<semaphore_mem>>) {add = true}
    }
    %scan3A_24 = arith.constant 7 : i32
    %scan3A_25 = arith.constant 0 : i32
    %scan3A_26 = arith.constant 8 : i32
    %scan3A_27 = arith.constant 60 : i32
    %scan3A_28 = arith.addi %scan3A_26, %scan3A_27 : i32
    %scan3A_29 = arith.constant 1 : i32
    scf.for %scan3A_77 = %scan3A_26 to %scan3A_28 step %scan3A_29  : i32 {
      %add3A_78 = arith.constant 68 : i32
      %add3A_79 = arith.addi %add3A_78, %scan3A_77 : i32
      %dma_start3A_80 = arith.constant 128 : i32
      %dma_start3A_81 = arith.constant 0 : i32
      %dma_start3A_82 = tpu.memref_slice %arg8[%dma_start3A_80, %dma_start3A_81] : memref<512x32xf32, #tpu.memory_space<vmem>> -> memref<128x32xf32, #tpu.memory_space<vmem>>
      %dma_start3A_83 = arith.constant 0 : i32
      %dma_start3A_84 = tpu.memref_slice %arg6[%add3A_79, %dma_start3A_83] : memref<272x128xi32, #tpu.memory_space<vmem>> -> memref<1x128xi32, #tpu.memory_space<vmem>>
      %dma_start3A_85 = tpu.memref_squeeze %dma_start3A_84 : memref<1x128xi32, #tpu.memory_space<vmem>> -> memref<128xi32, #tpu.memory_space<vmem>>
      %dma_start3A_86 = arith.constant 0 : i32
      %dma_start3A_87 = arith.constant 0 : i32
      %dma_start3A_88 = tpu.memref_slice %arg2[%dma_start3A_86, %dma_start3A_87] : memref<65536x32xf32, #tpu.memory_space<hbm>> -> memref<65536x32xf32, #tpu.memory_space<hbm>>
      tpu.enqueue_indirect_dma source(%dma_start3A_88 : memref<65536x32xf32, #tpu.memory_space<hbm>>) target(%dma_start3A_82 : memref<128x32xf32, #tpu.memory_space<vmem>>) offsets(%dma_start3A_85 : memref<128xi32, #tpu.memory_space<vmem>>) semaphore(%arg9 : memref<!tpu.dma_semaphore, #tpu.memory_space<semaphore_mem>>) {add = true}
    }
    %scan3A_30 = arith.constant 60 : i32
    %scan3A_31 = arith.constant 0 : i32
    %scan3A_32 = arith.constant 1 : i32
    %scan3A_33 = arith.constant 7 : i32
    %scan3A_34 = arith.addi %scan3A_32, %scan3A_33 : i32
    %scan3A_35 = arith.constant 1 : i32
    scf.for %scan3A_77 = %scan3A_32 to %scan3A_34 step %scan3A_35  : i32 {
      %add3A_78 = arith.constant 136 : i32
      %add3A_79 = arith.addi %add3A_78, %scan3A_77 : i32
      %dma_start3A_80 = arith.constant 256 : i32
      %dma_start3A_81 = arith.constant 0 : i32
      %dma_start3A_82 = tpu.memref_slice %arg7[%dma_start3A_80, %dma_start3A_81] : memref<512x32xf32, #tpu.memory_space<vmem>> -> memref<128x32xf32, #tpu.memory_space<vmem>>
      %dma_start3A_83 = arith.constant 0 : i32
      %dma_start3A_84 = tpu.memref_slice %arg6[%add3A_79, %dma_start3A_83] : memref<272x128xi32, #tpu.memory_space<vmem>> -> memref<1x128xi32, #tpu.memory_space<vmem>>
      %dma_start3A_85 = tpu.memref_squeeze %dma_start3A_84 : memref<1x128xi32, #tpu.memory_space<vmem>> -> memref<128xi32, #tpu.memory_space<vmem>>
      %dma_start3A_86 = arith.constant 0 : i32
      %dma_start3A_87 = arith.constant 0 : i32
      %dma_start3A_88 = tpu.memref_slice %arg2[%dma_start3A_86, %dma_start3A_87] : memref<65536x32xf32, #tpu.memory_space<hbm>> -> memref<65536x32xf32, #tpu.memory_space<hbm>>
      tpu.enqueue_indirect_dma source(%dma_start3A_88 : memref<65536x32xf32, #tpu.memory_space<hbm>>) target(%dma_start3A_82 : memref<128x32xf32, #tpu.memory_space<vmem>>) offsets(%dma_start3A_85 : memref<128xi32, #tpu.memory_space<vmem>>) semaphore(%arg9 : memref<!tpu.dma_semaphore, #tpu.memory_space<semaphore_mem>>) {add = true}
    }
    %scan3A_36 = arith.constant 7 : i32
    %scan3A_37 = arith.constant 0 : i32
    %scan3A_38 = arith.constant 8 : i32
    %scan3A_39 = arith.constant 60 : i32
    %scan3A_40 = arith.addi %scan3A_38, %scan3A_39 : i32
    %scan3A_41 = arith.constant 1 : i32
    scf.for %scan3A_77 = %scan3A_38 to %scan3A_40 step %scan3A_41  : i32 {
      %add3A_78 = arith.constant 136 : i32
      %add3A_79 = arith.addi %add3A_78, %scan3A_77 : i32
      %dma_start3A_80 = arith.constant 256 : i32
      %dma_start3A_81 = arith.constant 0 : i32
      %dma_start3A_82 = tpu.memref_slice %arg8[%dma_start3A_80, %dma_start3A_81] : memref<512x32xf32, #tpu.memory_space<vmem>> -> memref<128x32xf32, #tpu.memory_space<vmem>>
      %dma_start3A_83 = arith.constant 0 : i32
      %dma_start3A_84 = tpu.memref_slice %arg6[%add3A_79, %dma_start3A_83] : memref<272x128xi32, #tpu.memory_space<vmem>> -> memref<1x128xi32, #tpu.memory_space<vmem>>
      %dma_start3A_85 = tpu.memref_squeeze %dma_start3A_84 : memref<1x128xi32, #tpu.memory_space<vmem>> -> memref<128xi32, #tpu.memory_space<vmem>>
      %dma_start3A_86 = arith.constant 0 : i32
      %dma_start3A_87 = arith.constant 0 : i32
      %dma_start3A_88 = tpu.memref_slice %arg2[%dma_start3A_86, %dma_start3A_87] : memref<65536x32xf32, #tpu.memory_space<hbm>> -> memref<65536x32xf32, #tpu.memory_space<hbm>>
      tpu.enqueue_indirect_dma source(%dma_start3A_88 : memref<65536x32xf32, #tpu.memory_space<hbm>>) target(%dma_start3A_82 : memref<128x32xf32, #tpu.memory_space<vmem>>) offsets(%dma_start3A_85 : memref<128xi32, #tpu.memory_space<vmem>>) semaphore(%arg9 : memref<!tpu.dma_semaphore, #tpu.memory_space<semaphore_mem>>) {add = true}
    }
    %scan3A_42 = arith.constant 60 : i32
    %scan3A_43 = arith.constant 0 : i32
    %scan3A_44 = arith.constant 1 : i32
    %scan3A_45 = arith.constant 7 : i32
    %scan3A_46 = arith.addi %scan3A_44, %scan3A_45 : i32
    %scan3A_47 = arith.constant 1 : i32
    scf.for %scan3A_77 = %scan3A_44 to %scan3A_46 step %scan3A_47  : i32 {
      %add3A_78 = arith.constant 204 : i32
      %add3A_79 = arith.addi %add3A_78, %scan3A_77 : i32
      %dma_start3A_80 = arith.constant 384 : i32
      %dma_start3A_81 = arith.constant 0 : i32
      %dma_start3A_82 = tpu.memref_slice %arg7[%dma_start3A_80, %dma_start3A_81] : memref<512x32xf32, #tpu.memory_space<vmem>> -> memref<128x32xf32, #tpu.memory_space<vmem>>
      %dma_start3A_83 = arith.constant 0 : i32
      %dma_start3A_84 = tpu.memref_slice %arg6[%add3A_79, %dma_start3A_83] : memref<272x128xi32, #tpu.memory_space<vmem>> -> memref<1x128xi32, #tpu.memory_space<vmem>>
      %dma_start3A_85 = tpu.memref_squeeze %dma_start3A_84 : memref<1x128xi32, #tpu.memory_space<vmem>> -> memref<128xi32, #tpu.memory_space<vmem>>
      %dma_start3A_86 = arith.constant 0 : i32
      %dma_start3A_87 = arith.constant 0 : i32
      %dma_start3A_88 = tpu.memref_slice %arg2[%dma_start3A_86, %dma_start3A_87] : memref<65536x32xf32, #tpu.memory_space<hbm>> -> memref<65536x32xf32, #tpu.memory_space<hbm>>
      tpu.enqueue_indirect_dma source(%dma_start3A_88 : memref<65536x32xf32, #tpu.memory_space<hbm>>) target(%dma_start3A_82 : memref<128x32xf32, #tpu.memory_space<vmem>>) offsets(%dma_start3A_85 : memref<128xi32, #tpu.memory_space<vmem>>) semaphore(%arg9 : memref<!tpu.dma_semaphore, #tpu.memory_space<semaphore_mem>>) {add = true}
    }
    %scan3A_48 = arith.constant 7 : i32
    %scan3A_49 = arith.constant 0 : i32
    %scan3A_50 = arith.constant 8 : i32
    %scan3A_51 = arith.constant 60 : i32
    %scan3A_52 = arith.addi %scan3A_50, %scan3A_51 : i32
    %scan3A_53 = arith.constant 1 : i32
    scf.for %scan3A_77 = %scan3A_50 to %scan3A_52 step %scan3A_53  : i32 {
      %add3A_78 = arith.constant 204 : i32
      %add3A_79 = arith.addi %add3A_78, %scan3A_77 : i32
      %dma_start3A_80 = arith.constant 384 : i32
      %dma_start3A_81 = arith.constant 0 : i32
      %dma_start3A_82 = tpu.memref_slice %arg8[%dma_start3A_80, %dma_start3A_81] : memref<512x32xf32, #tpu.memory_space<vmem>> -> memref<128x32xf32, #tpu.memory_space<vmem>>
      %dma_start3A_83 = arith.constant 0 : i32
      %dma_start3A_84 = tpu.memref_slice %arg6[%add3A_79, %dma_start3A_83] : memref<272x128xi32, #tpu.memory_space<vmem>> -> memref<1x128xi32, #tpu.memory_space<vmem>>
      %dma_start3A_85 = tpu.memref_squeeze %dma_start3A_84 : memref<1x128xi32, #tpu.memory_space<vmem>> -> memref<128xi32, #tpu.memory_space<vmem>>
      %dma_start3A_86 = arith.constant 0 : i32
      %dma_start3A_87 = arith.constant 0 : i32
      %dma_start3A_88 = tpu.memref_slice %arg2[%dma_start3A_86, %dma_start3A_87] : memref<65536x32xf32, #tpu.memory_space<hbm>> -> memref<65536x32xf32, #tpu.memory_space<hbm>>
      tpu.enqueue_indirect_dma source(%dma_start3A_88 : memref<65536x32xf32, #tpu.memory_space<hbm>>) target(%dma_start3A_82 : memref<128x32xf32, #tpu.memory_space<vmem>>) offsets(%dma_start3A_85 : memref<128xi32, #tpu.memory_space<vmem>>) semaphore(%arg9 : memref<!tpu.dma_semaphore, #tpu.memory_space<semaphore_mem>>) {add = true}
    }
    %scan3A_54 = arith.constant 60 : i32
    %scan3A_55 = arith.constant 0 : i32
    %scan3A_56 = arith.constant 0 : i32
    %scan3A_57 = arith.constant 268 : i32
    %scan3A_58 = arith.addi %scan3A_56, %scan3A_57 : i32
    %scan3A_59 = arith.constant 1 : i32
    scf.for %scan3A_77 = %scan3A_56 to %scan3A_58 step %scan3A_59  : i32 {
      %dma_wait3A_78 = arith.constant 0 : i32
      %dma_wait3A_79 = arith.constant 0 : i32
      %dma_wait3A_80 = tpu.memref_slice %arg7[%dma_wait3A_78, %dma_wait3A_79] : memref<512x32xf32, #tpu.memory_space<vmem>> -> memref<128x32xf32, #tpu.memory_space<vmem>>
      %dma_wait3A_81 = arith.constant 0 : i32
      %dma_wait3A_82 = arith.constant 0 : i32
      %dma_wait3A_83 = tpu.memref_slice %arg2[%dma_wait3A_81, %dma_wait3A_82] : memref<65536x32xf32, #tpu.memory_space<hbm>> -> memref<128x32xf32, #tpu.memory_space<hbm>>
      %dma_wait3A_84 = arith.constant 0 : i32
      %dma_wait3A_85 = arith.constant 0 : i32
      %dma_wait3A_86 = tpu.memref_slice %arg7[%dma_wait3A_84, %dma_wait3A_85] : memref<512x32xf32, #tpu.memory_space<vmem>> -> memref<128x32xf32, #tpu.memory_space<vmem>>
      %dma_wait3A_87 = arith.constant 0 : i32
      %dma_wait3A_88 = arith.constant 0 : i32
      %dma_wait3A_89 = tpu.memref_slice %arg2[%dma_wait3A_87, %dma_wait3A_88] : memref<65536x32xf32, #tpu.memory_space<hbm>> -> memref<128x32xf32, #tpu.memory_space<hbm>>
      tpu.wait_dma2 semaphore(%arg9 : memref<!tpu.dma_semaphore, #tpu.memory_space<semaphore_mem>>) src(%dma_wait3A_89 : memref<128x32xf32, #tpu.memory_space<hbm>>) dst(%dma_wait3A_86 : memref<128x32xf32, #tpu.memory_space<vmem>>)
    }
    %scan3A_60 = arith.constant 268 : i32
    %mul3A_61 = arith.constant 512 : i32
    %mul3A_62 = arith.muli %add3A, %mul3A_61 : i32
    %dma_start3A = arith.constant 0 : i32
    %dma_start3A_63 = tpu.memref_slice %arg4[%mul3A_62, %dma_start3A] : memref<16384x32xf32, #tpu.memory_space<hbm>> -> memref<512x32xf32, #tpu.memory_space<hbm>>
    %dma_start3A_64 = arith.constant 0 : i32
    %dma_start3A_65 = tpu.memref_slice %arg4[%mul3A_62, %dma_start3A_64] : memref<16384x32xf32, #tpu.memory_space<hbm>> -> memref<512x32xf32, #tpu.memory_space<hbm>>
    tpu.enqueue_dma source(%arg7 : memref<512x32xf32, #tpu.memory_space<vmem>>) target(%dma_start3A_65 : memref<512x32xf32, #tpu.memory_space<hbm>>) target_semaphore(%arg10 : memref<!tpu.dma_semaphore, #tpu.memory_space<semaphore_mem>>)
    %dma_start3A_66 = arith.constant 0 : i32
    %dma_start3A_67 = tpu.memref_slice %arg5[%mul3A_62, %dma_start3A_66] : memref<16384x32xf32, #tpu.memory_space<hbm>> -> memref<512x32xf32, #tpu.memory_space<hbm>>
    %dma_start3A_68 = arith.constant 0 : i32
    %dma_start3A_69 = tpu.memref_slice %arg5[%mul3A_62, %dma_start3A_68] : memref<16384x32xf32, #tpu.memory_space<hbm>> -> memref<512x32xf32, #tpu.memory_space<hbm>>
    tpu.enqueue_dma source(%arg8 : memref<512x32xf32, #tpu.memory_space<vmem>>) target(%dma_start3A_69 : memref<512x32xf32, #tpu.memory_space<hbm>>) target_semaphore(%arg10 : memref<!tpu.dma_semaphore, #tpu.memory_space<semaphore_mem>>)
    %dma_wait3A = arith.constant 0 : i32
    %dma_wait3A_70 = tpu.memref_slice %arg4[%mul3A_62, %dma_wait3A] : memref<16384x32xf32, #tpu.memory_space<hbm>> -> memref<512x32xf32, #tpu.memory_space<hbm>>
    %dma_wait3A_71 = arith.constant 0 : i32
    %dma_wait3A_72 = tpu.memref_slice %arg4[%mul3A_62, %dma_wait3A_71] : memref<16384x32xf32, #tpu.memory_space<hbm>> -> memref<512x32xf32, #tpu.memory_space<hbm>>
    tpu.wait_dma2 semaphore(%arg10 : memref<!tpu.dma_semaphore, #tpu.memory_space<semaphore_mem>>) src(%arg7 : memref<512x32xf32, #tpu.memory_space<vmem>>) dst(%dma_wait3A_72 : memref<512x32xf32, #tpu.memory_space<hbm>>)
    %dma_wait3A_73 = arith.constant 0 : i32
    %dma_wait3A_74 = tpu.memref_slice %arg5[%mul3A_62, %dma_wait3A_73] : memref<16384x32xf32, #tpu.memory_space<hbm>> -> memref<512x32xf32, #tpu.memory_space<hbm>>
    %dma_wait3A_75 = arith.constant 0 : i32
    %dma_wait3A_76 = tpu.memref_slice %arg5[%mul3A_62, %dma_wait3A_75] : memref<16384x32xf32, #tpu.memory_space<hbm>> -> memref<512x32xf32, #tpu.memory_space<hbm>>
    tpu.wait_dma2 semaphore(%arg10 : memref<!tpu.dma_semaphore, #tpu.memory_space<semaphore_mem>>) src(%arg8 : memref<512x32xf32, #tpu.memory_space<vmem>>) dst(%dma_wait3A_76 : memref<512x32xf32, #tpu.memory_space<hbm>>)
    return
  }
}

module attributes {stable_mosaic.version = 14 : i64} {
  func.func @_fmt_body(%arg0: i32, %arg1: memref<512x68xf32, #tpu.memory_space<vmem>>, %arg2: memref<1x272x128xi32, #tpu.memory_space<vmem>>) attributes {dimension_semantics = [#tpu.dimension_semantics<arbitrary>], iteration_bounds = array<i64: 32>, scalar_prefetch = 0 : i64, scratch_operands = 0 : i64, tpu.core_type = #tpu.core_type<tc>, window_params = [{transform_indices = @transform_0, window_bounds = array<i64: 512, 68>}, {transform_indices = @transform_1, window_bounds = array<i64: 1, 272, 128>}]} {
    %get3A = arith.constant 0 : index
    %get3A_0 = arith.constant 0 : index
    %get3A_1 = vector.load %arg1[%get3A, %get3A_0] : memref<512x68xf32, #tpu.memory_space<vmem>>, vector<512x68xf32>
    %convert_element_type3A = arith.fptosi %get3A_1 : vector<512x68xf32> to vector<512x68xi32>
    %slice3A = vector.extract_strided_slice %convert_element_type3A {offsets = [0, 0], sizes = [128, 68], strides = [1, 1]} : vector<512x68xi32> to vector<128x68xi32>
    %transpose3A = tpu.transpose %slice3A, [1, 0] : vector<128x68xi32> -> vector<68x128xi32>
    %swap3A = arith.constant 0 : index
    %swap3A_2 = arith.constant 0 : index
    %swap3A_3 = arith.constant 0 : index
    %swap3A_4 = vector.load %arg2[%swap3A, %swap3A_2, %swap3A_3] : memref<1x272x128xi32, #tpu.memory_space<vmem>>, vector<1x68x128xi32>
    %swap3A_5 = vector.shape_cast %swap3A_4 : vector<1x68x128xi32> to vector<68x128xi32>
    %swap3A_6 = vector.shape_cast %transpose3A : vector<68x128xi32> to vector<1x68x128xi32>
    tpu.vector_store %arg2[%swap3A, %swap3A_2, %swap3A_3], %swap3A_6 {strides = array<i32>} : memref<1x272x128xi32, #tpu.memory_space<vmem>>, vector<1x68x128xi32>,
    %slice3A_7 = vector.extract_strided_slice %convert_element_type3A {offsets = [128, 0], sizes = [128, 68], strides = [1, 1]} : vector<512x68xi32> to vector<128x68xi32>
    %transpose3A_8 = tpu.transpose %slice3A_7, [1, 0] : vector<128x68xi32> -> vector<68x128xi32>
    %swap3A_9 = arith.constant 0 : index
    %swap3A_10 = arith.constant 68 : index
    %swap3A_11 = arith.constant 0 : index
    %swap3A_12 = vector.load %arg2[%swap3A_9, %swap3A_10, %swap3A_11] : memref<1x272x128xi32, #tpu.memory_space<vmem>>, vector<1x68x128xi32>
    %swap3A_13 = vector.shape_cast %swap3A_12 : vector<1x68x128xi32> to vector<68x128xi32>
    %swap3A_14 = vector.shape_cast %transpose3A_8 : vector<68x128xi32> to vector<1x68x128xi32>
    tpu.vector_store %arg2[%swap3A_9, %swap3A_10, %swap3A_11], %swap3A_14 {strides = array<i32>} : memref<1x272x128xi32, #tpu.memory_space<vmem>>, vector<1x68x128xi32>,
    %slice3A_15 = vector.extract_strided_slice %convert_element_type3A {offsets = [256, 0], sizes = [128, 68], strides = [1, 1]} : vector<512x68xi32> to vector<128x68xi32>
    %transpose3A_16 = tpu.transpose %slice3A_15, [1, 0] : vector<128x68xi32> -> vector<68x128xi32>
    %swap3A_17 = arith.constant 0 : index
    %swap3A_18 = arith.constant 136 : index
    %swap3A_19 = arith.constant 0 : index
    %swap3A_20 = vector.load %arg2[%swap3A_17, %swap3A_18, %swap3A_19] : memref<1x272x128xi32, #tpu.memory_space<vmem>>, vector<1x68x128xi32>
    %swap3A_21 = vector.shape_cast %swap3A_20 : vector<1x68x128xi32> to vector<68x128xi32>
    %swap3A_22 = vector.shape_cast %transpose3A_16 : vector<68x128xi32> to vector<1x68x128xi32>
    tpu.vector_store %arg2[%swap3A_17, %swap3A_18, %swap3A_19], %swap3A_22 {strides = array<i32>} : memref<1x272x128xi32, #tpu.memory_space<vmem>>, vector<1x68x128xi32>,
    %slice3A_23 = vector.extract_strided_slice %convert_element_type3A {offsets = [384, 0], sizes = [128, 68], strides = [1, 1]} : vector<512x68xi32> to vector<128x68xi32>
    %transpose3A_24 = tpu.transpose %slice3A_23, [1, 0] : vector<128x68xi32> -> vector<68x128xi32>
    %swap3A_25 = arith.constant 0 : index
    %swap3A_26 = arith.constant 204 : index
    %swap3A_27 = arith.constant 0 : index
    %swap3A_28 = vector.load %arg2[%swap3A_25, %swap3A_26, %swap3A_27] : memref<1x272x128xi32, #tpu.memory_space<vmem>>, vector<1x68x128xi32>
    %swap3A_29 = vector.shape_cast %swap3A_28 : vector<1x68x128xi32> to vector<68x128xi32>
    %swap3A_30 = vector.shape_cast %transpose3A_24 : vector<68x128xi32> to vector<1x68x128xi32>
    tpu.vector_store %arg2[%swap3A_25, %swap3A_26, %swap3A_27], %swap3A_30 {strides = array<i32>} : memref<1x272x128xi32, #tpu.memory_space<vmem>>, vector<1x68x128xi32>,
    return
  }
  func.func @transform_0(%arg0: i32) -> (i32, i32) {
    %c0_i32 = arith.constant 0 : i32
    %c0_i32_0 = arith.constant 0 : i32
    return %arg0, %c0_i32 : i32, i32
  }
  func.func @transform_1(%arg0: i32) -> (i32, i32, i32) {
    %c0_i32 = arith.constant 0 : i32
    %c0_i32_0 = arith.constant 0 : i32
    %c0_i32_1 = arith.constant 0 : i32
    return %arg0, %c0_i32, %c0_i32_0 : i32, i32, i32
  }
}

module attributes {stable_mosaic.version = 14 : i64} {
  func.func @_tc_mlp_body(%arg0: i32, %arg1: memref<4096x68xf32, #tpu.memory_space<vmem>>, %arg2: memref<4096x32xf32, #tpu.memory_space<vmem>>, %arg3: memref<4096x32xf32, #tpu.memory_space<vmem>>, %arg4: memref<2x68xf32, #tpu.memory_space<vmem>>, %arg5: memref<32x32xf32, #tpu.memory_space<vmem>>, %arg6: memref<32xf32, #tpu.memory_space<vmem>>, %arg7: memref<32x32xf32, #tpu.memory_space<vmem>>, %arg8: memref<32xf32, #tpu.memory_space<vmem>>, %arg9: memref<64x65xf32, #tpu.memory_space<vmem>>, %arg10: memref<64xf32, #tpu.memory_space<vmem>>, %arg11: memref<32x64xf32, #tpu.memory_space<vmem>>, %arg12: memref<32xf32, #tpu.memory_space<vmem>>, %arg13: memref<2x32xf32, #tpu.memory_space<vmem>>, %arg14: memref<2xf32, #tpu.memory_space<vmem>>, %arg15: memref<4096x2xf32, #tpu.memory_space<vmem>>) attributes {dimension_semantics = [#tpu.dimension_semantics<arbitrary>], iteration_bounds = array<i64: 4>, scalar_prefetch = 0 : i64, scratch_operands = 0 : i64, tpu.core_type = #tpu.core_type<tc>, window_params = [{transform_indices = @transform_0, window_bounds = array<i64: 4096, 68>}, {transform_indices = @transform_1, window_bounds = array<i64: 4096, 32>}, {transform_indices = @transform_2, window_bounds = array<i64: 4096, 32>}, {pipeline_mode = #tpu.pipeline_mode<synchronous>, transform_indices = @transform_3, window_bounds = array<i64: 2, 68>}, {pipeline_mode = #tpu.pipeline_mode<synchronous>, transform_indices = @transform_4, window_bounds = array<i64: 32, 32>}, {pipeline_mode = #tpu.pipeline_mode<synchronous>, transform_indices = @transform_5, window_bounds = array<i64: 32>}, {pipeline_mode = #tpu.pipeline_mode<synchronous>, transform_indices = @transform_6, window_bounds = array<i64: 32, 32>}, {pipeline_mode = #tpu.pipeline_mode<synchronous>, transform_indices = @transform_7, window_bounds = array<i64: 32>}, {pipeline_mode = #tpu.pipeline_mode<synchronous>, transform_indices = @transform_8, window_bounds = array<i64: 64, 65>}, {pipeline_mode = #tpu.pipeline_mode<synchronous>, transform_indices = @transform_9, window_bounds = array<i64: 64>}, {pipeline_mode = #tpu.pipeline_mode<synchronous>, transform_indices = @transform_10, window_bounds = array<i64: 32, 64>}, {pipeline_mode = #tpu.pipeline_mode<synchronous>, transform_indices = @transform_11, window_bounds = array<i64: 32>}, {pipeline_mode = #tpu.pipeline_mode<synchronous>, transform_indices = @transform_12, window_bounds = array<i64: 2, 32>}, {pipeline_mode = #tpu.pipeline_mode<synchronous>, transform_indices = @transform_13, window_bounds = array<i64: 2>}, {transform_indices = @transform_14, window_bounds = array<i64: 4096, 2>}]} {
    %get3A = arith.constant 0 : index
    %get3A_0 = arith.constant 0 : index
    %get3A_1 = vector.load %arg1[%get3A, %get3A_0] : memref<4096x68xf32, #tpu.memory_space<vmem>>, vector<4096x68xf32>
    %slice3A = vector.extract_strided_slice %get3A_1 {offsets = [0, 0], sizes = [4096, 1], strides = [1, 1]} : vector<4096x68xf32> to vector<4096x1xf32>
    %ne3A = arith.constant 0.000000e+00 : f32
    %ne3A_2 = vector.broadcast %ne3A : f32 to vector<4096x68xf32>
    %ne3A_3 = arith.cmpf one, %get3A_1, %ne3A_2 : vector<4096x68xf32>
    %convert_element_type3A = arith.extui %ne3A_3 : vector<4096x68xi1> to vector<4096x68xi32>
    %convert_element_type3A_4 = arith.sitofp %convert_element_type3A : vector<4096x68xi32> to vector<4096x68xf32>
    %get3A_5 = arith.constant 0 : index
    %get3A_6 = arith.constant 0 : index
    %get3A_7 = vector.load %arg4[%get3A_5, %get3A_6] : memref<2x68xf32, #tpu.memory_space<vmem>>, vector<2x68xf32>
    %convert_element_type3A_8 = arith.truncf %convert_element_type3A_4 : vector<4096x68xf32> to vector<4096x68xbf16>
    %convert_element_type3A_9 = arith.truncf %get3A_7 : vector<2x68xf32> to vector<2x68xbf16>
    %dot_general3A = arith.constant dense<0.000000e+00> : vector<4096x2xf32>
    %dot_general3A_10 = tpu.matmul %convert_element_type3A_8, %convert_element_type3A_9, %dot_general3A {dimension_numbers = #tpu.dot_dimension_numbers<[1], [1], [0], [0], [0, 0, 1, 0], [], []>, transpose_lhs_hint = false} : vector<4096x68xbf16>, vector<2x68xbf16>, vector<4096x2xf32> -> vector<4096x2xf32>
    %get3A_11 = arith.constant 0 : index
    %get3A_12 = arith.constant 0 : index
    %get3A_13 = vector.load %arg2[%get3A_11, %get3A_12] : memref<4096x32xf32, #tpu.memory_space<vmem>>, vector<4096x32xf32>
    %slice3A_14 = vector.extract_strided_slice %dot_general3A_10 {offsets = [0, 0], sizes = [4096, 1], strides = [1, 1]} : vector<4096x2xf32> to vector<4096x1xf32>
    %add3A = arith.constant 9.99999993E-9 : f32
    %add3A_15 = vector.broadcast %add3A : f32 to vector<4096x1xf32>
    %add3A_16 = arith.addf %slice3A_14, %add3A_15 : vector<4096x1xf32>
    %div3A = vector.broadcast %add3A_16 : vector<4096x1xf32> to vector<4096x32xf32>
    %div3A_17 = arith.divf %get3A_13, %div3A : vector<4096x32xf32>
    %get3A_18 = arith.constant 0 : index
    %get3A_19 = arith.constant 0 : index
    %get3A_20 = vector.load %arg3[%get3A_18, %get3A_19] : memref<4096x32xf32, #tpu.memory_space<vmem>>, vector<4096x32xf32>
    %slice3A_21 = vector.extract_strided_slice %dot_general3A_10 {offsets = [0, 1], sizes = [4096, 1], strides = [1, 1]} : vector<4096x2xf32> to vector<4096x1xf32>
    %add3A_22 = arith.constant 9.99999993E-9 : f32
    %add3A_23 = vector.broadcast %add3A_22 : f32 to vector<4096x1xf32>
    %add3A_24 = arith.addf %slice3A_21, %add3A_23 : vector<4096x1xf32>
    %div3A_25 = vector.broadcast %add3A_24 : vector<4096x1xf32> to vector<4096x32xf32>
    %div3A_26 = arith.divf %get3A_20, %div3A_25 : vector<4096x32xf32>
    %get3A_27 = arith.constant 0 : index
    %get3A_28 = arith.constant 0 : index
    %get3A_29 = vector.load %arg5[%get3A_27, %get3A_28] : memref<32x32xf32, #tpu.memory_space<vmem>>, vector<32x32xf32>
    %convert_element_type3A_30 = arith.truncf %div3A_17 : vector<4096x32xf32> to vector<4096x32xbf16>
    %convert_element_type3A_31 = arith.truncf %get3A_29 : vector<32x32xf32> to vector<32x32xbf16>
    %dot_general3A_32 = arith.constant dense<0.000000e+00> : vector<4096x32xf32>
    %dot_general3A_33 = tpu.matmul %convert_element_type3A_30, %convert_element_type3A_31, %dot_general3A_32 {dimension_numbers = #tpu.dot_dimension_numbers<[1], [1], [0], [0], [0, 0, 1, 0], [], []>, transpose_lhs_hint = false} : vector<4096x32xbf16>, vector<32x32xbf16>, vector<4096x32xf32> -> vector<4096x32xf32>
    %get3A_34 = arith.constant 0 : index
    %get3A_35 = vector.load %arg6[%get3A_34] : memref<32xf32, #tpu.memory_space<vmem>>, vector<32xf32>
    %broadcast_in_dim3A = vector.shape_cast %get3A_35 : vector<32xf32> to vector<1x32xf32>
    %add3A_36 = vector.broadcast %broadcast_in_dim3A : vector<1x32xf32> to vector<4096x32xf32>
    %add3A_37 = arith.addf %dot_general3A_33, %add3A_36 : vector<4096x32xf32>
    %max3A = arith.constant 0.000000e+00 : f32
    %max3A_38 = vector.broadcast %max3A : f32 to vector<4096x32xf32>
    %max3A_39 = arith.maximumf %add3A_37, %max3A_38 : vector<4096x32xf32>
    %get3A_40 = arith.constant 0 : index
    %get3A_41 = arith.constant 0 : index
    %get3A_42 = vector.load %arg7[%get3A_40, %get3A_41] : memref<32x32xf32, #tpu.memory_space<vmem>>, vector<32x32xf32>
    %convert_element_type3A_43 = arith.truncf %div3A_26 : vector<4096x32xf32> to vector<4096x32xbf16>
    %convert_element_type3A_44 = arith.truncf %get3A_42 : vector<32x32xf32> to vector<32x32xbf16>
    %dot_general3A_45 = arith.constant dense<0.000000e+00> : vector<4096x32xf32>
    %dot_general3A_46 = tpu.matmul %convert_element_type3A_43, %convert_element_type3A_44, %dot_general3A_45 {dimension_numbers = #tpu.dot_dimension_numbers<[1], [1], [0], [0], [0, 0, 1, 0], [], []>, transpose_lhs_hint = false} : vector<4096x32xbf16>, vector<32x32xbf16>, vector<4096x32xf32> -> vector<4096x32xf32>
    %get3A_47 = arith.constant 0 : index
    %get3A_48 = vector.load %arg8[%get3A_47] : memref<32xf32, #tpu.memory_space<vmem>>, vector<32xf32>
    %broadcast_in_dim3A_49 = vector.shape_cast %get3A_48 : vector<32xf32> to vector<1x32xf32>
    %add3A_50 = vector.broadcast %broadcast_in_dim3A_49 : vector<1x32xf32> to vector<4096x32xf32>
    %add3A_51 = arith.addf %dot_general3A_46, %add3A_50 : vector<4096x32xf32>
    %max3A_52 = arith.constant 0.000000e+00 : f32
    %max3A_53 = vector.broadcast %max3A_52 : f32 to vector<4096x32xf32>
    %max3A_54 = arith.maximumf %add3A_51, %max3A_53 : vector<4096x32xf32>
    %concatenate3A = tpu.concatenate %slice3A, %max3A_39, %max3A_54 in 1 : vector<4096x1xf32>, vector<4096x32xf32>, vector<4096x32xf32> -> vector<4096x65xf32>
    %get3A_55 = arith.constant 0 : index
    %get3A_56 = arith.constant 0 : index
    %get3A_57 = vector.load %arg9[%get3A_55, %get3A_56] : memref<64x65xf32, #tpu.memory_space<vmem>>, vector<64x65xf32>
    %convert_element_type3A_58 = arith.truncf %concatenate3A : vector<4096x65xf32> to vector<4096x65xbf16>
    %convert_element_type3A_59 = arith.truncf %get3A_57 : vector<64x65xf32> to vector<64x65xbf16>
    %dot_general3A_60 = arith.constant dense<0.000000e+00> : vector<4096x64xf32>
    %dot_general3A_61 = tpu.matmul %convert_element_type3A_58, %convert_element_type3A_59, %dot_general3A_60 {dimension_numbers = #tpu.dot_dimension_numbers<[1], [1], [0], [0], [0, 0, 1, 0], [], []>, transpose_lhs_hint = false} : vector<4096x65xbf16>, vector<64x65xbf16>, vector<4096x64xf32> -> vector<4096x64xf32>
    %get3A_62 = arith.constant 0 : index
    %get3A_63 = vector.load %arg10[%get3A_62] : memref<64xf32, #tpu.memory_space<vmem>>, vector<64xf32>
    %broadcast_in_dim3A_64 = vector.shape_cast %get3A_63 : vector<64xf32> to vector<1x64xf32>
    %add3A_65 = vector.broadcast %broadcast_in_dim3A_64 : vector<1x64xf32> to vector<4096x64xf32>
    %add3A_66 = arith.addf %dot_general3A_61, %add3A_65 : vector<4096x64xf32>
    %max3A_67 = arith.constant 0.000000e+00 : f32
    %max3A_68 = vector.broadcast %max3A_67 : f32 to vector<4096x64xf32>
    %max3A_69 = arith.maximumf %add3A_66, %max3A_68 : vector<4096x64xf32>
    %get3A_70 = arith.constant 0 : index
    %get3A_71 = arith.constant 0 : index
    %get3A_72 = vector.load %arg11[%get3A_70, %get3A_71] : memref<32x64xf32, #tpu.memory_space<vmem>>, vector<32x64xf32>
    %convert_element_type3A_73 = arith.truncf %max3A_69 : vector<4096x64xf32> to vector<4096x64xbf16>
    %convert_element_type3A_74 = arith.truncf %get3A_72 : vector<32x64xf32> to vector<32x64xbf16>
    %dot_general3A_75 = arith.constant dense<0.000000e+00> : vector<4096x32xf32>
    %dot_general3A_76 = tpu.matmul %convert_element_type3A_73, %convert_element_type3A_74, %dot_general3A_75 {dimension_numbers = #tpu.dot_dimension_numbers<[1], [1], [0], [0], [0, 0, 1, 0], [], []>, transpose_lhs_hint = false} : vector<4096x64xbf16>, vector<32x64xbf16>, vector<4096x32xf32> -> vector<4096x32xf32>
    %get3A_77 = arith.constant 0 : index
    %get3A_78 = vector.load %arg12[%get3A_77] : memref<32xf32, #tpu.memory_space<vmem>>, vector<32xf32>
    %broadcast_in_dim3A_79 = vector.shape_cast %get3A_78 : vector<32xf32> to vector<1x32xf32>
    %add3A_80 = vector.broadcast %broadcast_in_dim3A_79 : vector<1x32xf32> to vector<4096x32xf32>
    %add3A_81 = arith.addf %dot_general3A_76, %add3A_80 : vector<4096x32xf32>
    %max3A_82 = arith.constant 0.000000e+00 : f32
    %max3A_83 = vector.broadcast %max3A_82 : f32 to vector<4096x32xf32>
    %max3A_84 = arith.maximumf %add3A_81, %max3A_83 : vector<4096x32xf32>
    %get3A_85 = arith.constant 0 : index
    %get3A_86 = arith.constant 0 : index
    %get3A_87 = vector.load %arg13[%get3A_85, %get3A_86] : memref<2x32xf32, #tpu.memory_space<vmem>>, vector<2x32xf32>
    %convert_element_type3A_88 = arith.truncf %max3A_84 : vector<4096x32xf32> to vector<4096x32xbf16>
    %convert_element_type3A_89 = arith.truncf %get3A_87 : vector<2x32xf32> to vector<2x32xbf16>
    %dot_general3A_90 = arith.constant dense<0.000000e+00> : vector<4096x2xf32>
    %dot_general3A_91 = tpu.matmul %convert_element_type3A_88, %convert_element_type3A_89, %dot_general3A_90 {dimension_numbers = #tpu.dot_dimension_numbers<[1], [1], [0], [0], [0, 0, 1, 0], [], []>, transpose_lhs_hint = false} : vector<4096x32xbf16>, vector<2x32xbf16>, vector<4096x2xf32> -> vector<4096x2xf32>
    %get3A_92 = arith.constant 0 : index
    %get3A_93 = vector.load %arg14[%get3A_92] : memref<2xf32, #tpu.memory_space<vmem>>, vector<2xf32>
    %broadcast_in_dim3A_94 = vector.shape_cast %get3A_93 : vector<2xf32> to vector<1x2xf32>
    %add3A_95 = vector.broadcast %broadcast_in_dim3A_94 : vector<1x2xf32> to vector<4096x2xf32>
    %add3A_96 = arith.addf %dot_general3A_91, %add3A_95 : vector<4096x2xf32>
    %swap3A = arith.constant 0 : index
    %swap3A_97 = arith.constant 0 : index
    %swap3A_98 = vector.load %arg15[%swap3A, %swap3A_97] : memref<4096x2xf32, #tpu.memory_space<vmem>>, vector<4096x2xf32>
    tpu.vector_store %arg15[%swap3A, %swap3A_97], %add3A_96 {strides = array<i32>} : memref<4096x2xf32, #tpu.memory_space<vmem>>, vector<4096x2xf32>,
    return
  }
  func.func @transform_0(%arg0: i32) -> (i32, i32) {
    %c0_i32 = arith.constant 0 : i32
    %c0_i32_0 = arith.constant 0 : i32
    return %arg0, %c0_i32 : i32, i32
  }
  func.func @transform_1(%arg0: i32) -> (i32, i32) {
    %c0_i32 = arith.constant 0 : i32
    %c0_i32_0 = arith.constant 0 : i32
    return %arg0, %c0_i32 : i32, i32
  }
  func.func @transform_2(%arg0: i32) -> (i32, i32) {
    %c0_i32 = arith.constant 0 : i32
    %c0_i32_0 = arith.constant 0 : i32
    return %arg0, %c0_i32 : i32, i32
  }
  func.func @transform_3(%arg0: i32) -> (i32, i32) {
    %c0_i32 = arith.constant 0 : i32
    %c0_i32_0 = arith.constant 0 : i32
    %c0_i32_1 = arith.constant 0 : i32
    return %c0_i32, %c0_i32_0 : i32, i32
  }
  func.func @transform_4(%arg0: i32) -> (i32, i32) {
    %c0_i32 = arith.constant 0 : i32
    %c0_i32_0 = arith.constant 0 : i32
    %c0_i32_1 = arith.constant 0 : i32
    return %c0_i32, %c0_i32_0 : i32, i32
  }
  func.func @transform_5(%arg0: i32) -> i32 {
    %c0_i32 = arith.constant 0 : i32
    %c0_i32_0 = arith.constant 0 : i32
    return %c0_i32 : i32
  }
  func.func @transform_6(%arg0: i32) -> (i32, i32) {
    %c0_i32 = arith.constant 0 : i32
    %c0_i32_0 = arith.constant 0 : i32
    %c0_i32_1 = arith.constant 0 : i32
    return %c0_i32, %c0_i32_0 : i32, i32
  }
  func.func @transform_7(%arg0: i32) -> i32 {
    %c0_i32 = arith.constant 0 : i32
    %c0_i32_0 = arith.constant 0 : i32
    return %c0_i32 : i32
  }
  func.func @transform_8(%arg0: i32) -> (i32, i32) {
    %c0_i32 = arith.constant 0 : i32
    %c0_i32_0 = arith.constant 0 : i32
    %c0_i32_1 = arith.constant 0 : i32
    return %c0_i32, %c0_i32_0 : i32, i32
  }
  func.func @transform_9(%arg0: i32) -> i32 {
    %c0_i32 = arith.constant 0 : i32
    %c0_i32_0 = arith.constant 0 : i32
    return %c0_i32 : i32
  }
  func.func @transform_10(%arg0: i32) -> (i32, i32) {
    %c0_i32 = arith.constant 0 : i32
    %c0_i32_0 = arith.constant 0 : i32
    %c0_i32_1 = arith.constant 0 : i32
    return %c0_i32, %c0_i32_0 : i32, i32
  }
  func.func @transform_11(%arg0: i32) -> i32 {
    %c0_i32 = arith.constant 0 : i32
    %c0_i32_0 = arith.constant 0 : i32
    return %c0_i32 : i32
  }
  func.func @transform_12(%arg0: i32) -> (i32, i32) {
    %c0_i32 = arith.constant 0 : i32
    %c0_i32_0 = arith.constant 0 : i32
    %c0_i32_1 = arith.constant 0 : i32
    return %c0_i32, %c0_i32_0 : i32, i32
  }
  func.func @transform_13(%arg0: i32) -> i32 {
    %c0_i32 = arith.constant 0 : i32
    %c0_i32_0 = arith.constant 0 : i32
    return %c0_i32 : i32
  }
  func.func @transform_14(%arg0: i32) -> (i32, i32) {
    %c0_i32 = arith.constant 0 : i32
    %c0_i32_0 = arith.constant 0 : i32
    return %arg0, %c0_i32 : i32, i32
  }
}

</mosaic_0001>

<sc_bundles>
// kernel: kernel.5.cloned.1.call-start
scs
__scs_entry_jumppad:
0x0: {  	(pc) =	sbr.rel $0x88, $3  }
0x1: {  	(tag) =	ssettag $0x0;
	lr =	simm.s32 $0x1  }
0x2: {  	[smem:$0x3F95] =	sst lr;
	_ =	strace $0xD0000000  }
0x3: {  	_ = 	snop  }
0x4: {  	_ = 	snop  }
0x5: {  	_ = 	snop  }
0x6: {  	_ = 	snop  }
0x7: {  	_ = 	snop  }
__scs_overlays_trampoline_lowered:
0x8: {  	[smem:$0x3FA4] =	sst s0  }
0x9: {  	[smem:$0x3FA5] =	sst s1  }
0xa: {  	[smem:$0x3FA6] =	sst s2  }
0xb: {  	[smem:$0x3FA7] =	sst s3  }
0xc: {  	[smem:$0x3FA8] =	sst s4  }
0xd: {  	[smem:$0x3FA9] =	sst s5  }
0xe: {  	[smem:$0x3FAA] =	sst s6  }
0xf: {  	[smem:$0x3FAB] =	sst s7  }
0x10: {  	[smem:$0x3FAC] =	sst s8  }
0x11: {  	[smem:$0x3FAD] =	sst s9;
	s0 =	simm.s32 @!p0 $0x0  }
0x12: {  	s1 =	sld [smem:$0x3F93];
	s0 =	simm.s32 @p0 $0x1  }
0x13: {  	[smem:$0x3FAE] =	sst s0;
	s0 =	simm.s32 @!p1 $0x0  }
0x14: {  	s2 =	sld [smem:$0x3F92];
	s0 =	simm.s32 @p1 $0x1  }
0x15: {  	[smem:$0x3FAF] =	sst s0;
	s0 =	simm.s32 @!p2 $0x0  }
0x16: {  	s3 =	sld [smem:$0x3FDB];
	s0 =	simm.s32 @p2 $0x1  }
0x17: {  	s4 =	simm.s32 $0x1BF5;
	[smem:$0x3FB1] =	sst s0  }
0x18: {  	s0 =	sld [smem:$0x3F94];
	_ =	swait.ge [sflag:s4], $0x0  }
0x19: {  	s7 =	sld [smem:$0x3F95]  }
0x1a: {  	s8 =	sadd.s32 $0xFFFFE003, lr  }
0x1b: {  	s9 =	sadd.s32 $0xFFFFFEF7, lr;
	s5 =	simm.s32 $0xFFFFFFFF;
	p2 =	slt.u32 s8, $0xFFFFF086  }
0x1c: {  	p1 =	slt.u32 s9, $0xF7A;
	s5 =	simm.s32 @!p2 $0x0  }
0x1d: {  	s5 =	simm.s32 @p1 $0x1;
	p0 =	seq.s32 s7, s2  }
0x1e: {  	s7 =	smul.u32 @!p0 $0xF7A, s2;
	p2 =	seq.s32 @!p0 s5, $0x0  }
0x1f: {  	s9 =	smul.u32 $0xF7A, s1;
	s8 =	simm.s32 @!p0 $0x1BF5;
	p2 =	por !p2, p0  }
0x20: {  	[sflag:s8] =	ssyncset.s32 @!p0 $0xFFFFF086;
	s6 =	sadd.s32 @!p0 s3, s7;
	s7 =	simm.s32 @!p0 $0x108  }
0x21: {  	s3 =	sadd.s32 s3, s9;
	s6 =	sadd.s32 @!p0 $0x88, s6;
	s7 =	simm.s32 @p2 $0x1082  }
0x22: {  	[simem:s7], [sflag:s8] =	dma.local @!p0 [hbm:s6], $0xF7A  }
0x23: {  	s9 =	sor.u32 $0xD0000000, s2;
	s6 =	simm.s32 $0x108;
	_ =	swait.ge @!p0 [sflag:s8], $0x0  }
0x24: {  	s3 =	sadd.s32 $0x88, s3;
	s6 =	simm.s32 @!p1 $0x1082;
	[sflag:s4] =	ssyncset.s32 $0xFFFFF086  }
0x25: {  	[simem:s6], [sflag:s4] =	dma.local [hbm:s3], $0xF7A  }
0x26: {  	[smem:$0x3F95] =	sst s1;
	(tag) =	ssettag s2;
	_ =	strace s9  }
0x27: {  	s1 =	sld [smem:$0x3FA5]  }
0x28: {  	s2 =	sld [smem:$0x3FA6]  }
0x29: {  	s4 =	sld [smem:$0x3FA8]  }
0x2a: {  	p0 =	seq.s32 s5, $0x0;
	s5 =	sld [smem:$0x3FA9]  }
0x2b: {  	s6 =	sld [smem:$0x3FAA]  }
0x2c: {  	s7 =	sld [smem:$0x3FAB]  }
0x2d: {  	s3 =	simm.s32 $0x108;
	s8 =	sld [smem:$0x3FAC]  }
0x2e: {  	s3 =	simm.s32 @!p0 $0x1082;
	s9 =	sld [smem:$0x3FAD]  }
0x2f: {  	lr =	sadd.s32 s0, s3;
	s0 =	sld [smem:$0x3FA4]  }
0x30: {  	s3 =	sld [smem:$0x3FA7]  }
0x31: {  	[smem:$0x3FB0] =	sst s10  }
0x32: {  	s10 =	sld [smem:$0x3FAE];
	_ =	sdelay $0x3  }
0x33: {  	p0 =	seq.s32 s10, $0x1;
	s10 =	sld [smem:$0x3FB0];
	_ =	sdelay $0x3  }
0x34: {  	[smem:$0x3FB0] =	sst s10  }
0x35: {  	s10 =	sld [smem:$0x3FAF];
	_ =	sdelay $0x3  }
0x36: {  	p1 =	seq.s32 s10, $0x1;
	s10 =	sld [smem:$0x3FB0];
	_ =	sdelay $0x3  }
0x37: {  	[smem:$0x3FB0] =	sst s10  }
0x38: {  	s10 =	sld [smem:$0x3FB1]  }
0x39: {  	_ = 	snop;
	(pc) =	sbr.ind lr, $3  }
0x3a: {  	_ = 	snop  }
0x3b: {  	_ = 	snop  }
0x3c: {  	p2 =	seq.s32 s10, $0x1;
	s10 =	sld [smem:$0x3FB0]  }
0x3d: {  	_ =	shalt  }
0x3e: {  	_ =	shalt  }
0x3f: {  	_ =	shalt  }
0x40: {  	_ =	shalt  }
0x41: {  	_ =	shalt  }
0x42: {  	_ =	shalt  }
0x43: {  	_ =	shalt  }
0x44: {  	_ =	shalt  }
0x45: {  	_ =	shalt  }
0x46: {  	_ =	shalt  }
0x47: {  	_ =	shalt  }
0x48: {  	_ =	shalt  }
0x49: {  	_ =	shalt  }
0x4a: {  	_ =	shalt  }
0x4b: {  	_ =	shalt  }
0x4c: {  	_ =	shalt  }
0x4d: {  	_ =	shalt  }
0x4e: {  	_ =	shalt  }
0x4f: {  	_ =	shalt  }
0x50: {  	_ =	shalt  }
0x51: {  	_ =	shalt  }
0x52: {  	_ =	shalt  }
0x53: {  	_ =	shalt  }
0x54: {  	_ =	shalt  }
0x55: {  	_ =	shalt  }
0x56: {  	_ =	shalt  }
0x57: {  	_ =	shalt  }
0x58: {  	_ =	shalt  }
0x59: {  	_ =	shalt  }
0x5a: {  	_ =	shalt  }
0x5b: {  	_ =	shalt  }
0x5c: {  	_ =	shalt  }
0x5d: {  	_ =	shalt  }
0x5e: {  	_ =	shalt  }
0x5f: {  	_ =	shalt  }
0x60: {  	_ =	shalt  }
0x61: {  	_ =	shalt  }
0x62: {  	_ =	shalt  }
0x63: {  	_ =	shalt  }
0x64: {  	_ =	shalt  }
0x65: {  	_ =	shalt  }
0x66: {  	_ =	shalt  }
0x67: {  	_ =	shalt  }
0x68: {  	_ =	shalt  }
0x69: {  	_ =	shalt  }
0x6a: {  	_ =	shalt  }
0x6b: {  	_ =	shalt  }
0x6c: {  	_ =	shalt  }
0x6d: {  	_ =	shalt  }
0x6e: {  	_ =	shalt  }
0x6f: {  	_ =	shalt  }
0x70: {  	_ =	shalt  }
0x71: {  	_ =	shalt  }
0x72: {  	_ =	shalt  }
0x73: {  	_ =	shalt  }
0x74: {  	_ =	shalt  }
0x75: {  	_ =	shalt  }
0x76: {  	_ =	shalt  }
0x77: {  	_ =	shalt  }
0x78: {  	_ =	shalt  }
0x79: {  	_ =	shalt  }
0x7a: {  	_ =	shalt  }
0x7b: {  	_ =	shalt  }
0x7c: {  	_ =	shalt  }
0x7d: {  	_ =	shalt  }
0x7e: {  	_ =	shalt  }
0x7f: {  	_ =	shalt  }
0x80: {  	_ =	shalt  }
0x81: {  	_ =	shalt  }
0x82: {  	_ =	shalt  }
0x83: {  	_ =	shalt  }
0x84: {  	_ =	shalt  }
0x85: {  	_ =	shalt  }
0x86: {  	_ =	shalt  }
0x87: {  	_ =	shalt  }
.Lfunc_end0:
.L_simem_size_0:
called_computation_lowered:
.L_overlay_start_0:
0x88: {  	s2 =	sld [smem:$0x3FD9]  }
0x89: {  	s3 =	sld [smem:$0x3FFE];
	_ =	sdelay $0x1  }
0x8a: {  	s1 =	srdreg.scid  }
0x8b: {  	s0 =	sand.u32 $0x1, s1  }
0x8c: {  	s16 =	sshll.u32 s0, $0xA;
	s2 =	sadd.s32 s3, s2  }
0x8d: {  	s2 =	sadd.s32 s2, s16  }
0x8e: {  	[smem:$0x3FBC] =	sst s2  }
0x8f: {  	_ = 	snop  }
0x90: {  	(tm) =	ssettm $0x1  }
0x91: {  	s17 =	sld [smem:$0x3FFB];
	_ =	sdelay $0x3  }
0x92: {  	_ =	strace s17  }
0x93: {  	s2 =	sld [smem:$0x3FFC];
	_ =	sdelay $0x3  }
0x94: {  	_ =	strace s2  }
0x95: {  	s2 =	sld [smem:$0x3FFD];
	_ =	sdelay $0x3  }
0x96: {  	_ =	strace s2  }
0x97: {  	_ =	strace $0x8FFFFFFF  }
0x98: {  	s18 =	sld [smem:$0x3FDB];
	_ =	sdelay $0x1  }
0x99: {  	s19 =	simm.s32 $_scs_section_size  }
0x9a: {  	s4 =	simm.s32 $_size__tile_overlayer_lowered;
	s5 =	simm.s32 $_tile_overlayer_lowered  }
0x9b: {  	s22 =	simm.s32 $0x1BFF;
	s21 =	sshll.u32 s5, $0x1;
	s2 =	sadd.s32 s19, s18  }
0x9c: {  	s6 =	simm.s32 $0x0;
	s20 =	sshll.u32 s4, $0x1;
	s4 =	sadd.s32 s21, s2  }
0x9d: {  	[timem:s6], [sflag:s22] =	dma.local [hbm:s4], s20  }
0x9e: {  	_ =	swait.ge [sflag:s22], s20  }
0x9f: {  	s3 =	ssub.s32 $0x0, s20;
	[sflag:s22] =	ssyncset.done $0x0  }
0xa0: {  	[sflag:s22] =	ssyncadd.s32 s3;
	_ =	sdelay $0x1  }
0xa1: {  	s23 =	simm.s32 $0x1B8B  }
0xa2: {  	_ =	swait.ge [sflag:s23], $0x1  }
0xa3: {  	[sflag:s23] =	ssyncset.done $0x0  }
0xa4: {  	s25 =	simm.s32 $0x1B8E;
	s24 =	sld [smem:$0x3FFE];
	[sflag:s23] =	ssyncadd.s32 $0xFFFFFFFF  }
0xa5: {  	s26 =	simm.s32 $execute0_lowered;
	[smem:$0x3FD2] =	sst s25  }
0xa6: {  	s4 =	sshll.u32 s26, $0x1;
	_ =	strace $0x80000046;
	[dreg:$0x1] =	wrdreg $0xFFFFFFFF  }
0xa7: {  	s28 =	simm.s32 $_size_execute0_lowered;
	s2 =	sadd.s32 s2, s4;
	[dreg:$0x0] =	wrdreg $0x0  }
0xa8: {  	s4 =	sshll.u32 s28, $0x1;
	[dreg:$0x2] =	wrdreg s2  }
0xa9: {  	[dreg:$0x3] =	wrdreg s4  }
0xaa: {  	[dreg:$0x4] =	wrdreg $0xC0  }
0xab: {  	_ =	task [dreg:s6], $0x5FFFF  }
0xac: {  	[dreg:$0x1] =	wrdreg $0xFFFFFFFF  }
0xad: {  	[dreg:$0x0] =	wrdreg $0x60  }
0xae: {  	[dreg:$0x2] =	wrdreg s24  }
0xaf: {  	[dreg:$0x3] =	wrdreg $0x9  }
0xb0: {  	_ =	task.clear_ibuf [dreg:s6], $0x4FFFF;
	_ =	strace $0x90000046  }
0xb1: {  	s29 =	simm.s32 $0x9;
	_ =	strace $0x80000048  }
0xb2: {  	_ =	swait.ge [sflag:s29], $0x1  }
0xb3: {  	[sflag:s29] =	ssyncadd.s32 $0xFFFFFFFF  }
0xb4: {  	_ =	strace $0x90000048  }
0xb5: {  	_ =	sfence  }
0xb6: {  	s30 =	sld [smem:$0x0];
	_ =	sdelay $0x2  }
0xb7: {  	s31 =	sshll.u32 s1, $0xD;
	s1 =	sshrl.u32 s1, $0x2  }
0xb8: {  	s3 =	sand.u32 $0x4000, s31;
	s1 =	sadd.s32 s1, s30  }
0xb9: {  	s0 =	sor.u32 s3, s0;
	s1 =	sshll.u32 s1, $0x11  }
0xba: {  	s0 =	sor.u32 s1, s0  }
0xbb: {  	s0 =	sadd.s32 $0x8F2B, s0  }
0xbc: {  	[sflag:s0] =	ssyncadd.remote.s32 $0x1  }
0xbd: {  	_ =	sfence.sel $0xFFFF  }
0xbe: {  	[dreg:$0x0] =	wrdreg $0xFFFFFFFF;
	(pc) =	sbr.abs _section_cstart, $3  }
0xbf: {  	[dreg:$0x1] =	wrdreg $0xFFFFFFFF  }
0xc0: {  	_ =	task.clear_ibuf [dreg:s6], $0x2FFFF;
	_ =	strace $0x9FFFFFFF  }
0xc1: {  	(tm) =	ssettm $0x7FFFFFFF  }
tec
execute0_lowered:
.L_overlay_start_1:
0x0: {  	(tag) =	ssettag $0x1  }
0x1: {  	s0 =	rddreg [dreg:$0x0]  }
0x2: {  	s1 =	srdreg.scid;
	s3 =	stileid.u32;
	s2 =	simm.s32 $0x0  }
0x3: {  	s8 =	simm.s32 $0x3;
	s9 =	simm.s32 $0x80;
	s10 =	simm.s32 $0x8800  }
0x4: {  	s17 =	simm.s32 $0xC800;
	s19 =	simm.s32 $0x9800;
	s26 =	simm.s32 $0xD800  }
0x5: {  	s29 =	simm.s32 $0xA800;
	s11 =	simm.s32 $0x4700;
	s12 =	simm.s32 $0x4780  }
0x6: {  	s13 =	simm.s32 $0xE800;
	s14 =	simm.s32 $0x6680;
	s15 =	simm.s32 $0xB800  }
0x7: {  	s16 =	simm.s32 $0x6700;
	s18 =	simm.s32 $0x6780;
	s20 =	simm.s32 $0x6800  }
0x8: {  	s21 =	simm.s32 $0x6880;
	s22 =	simm.s32 $0x6900;
	s23 =	simm.s32 $0x6980  }
0x9: {  	s24 =	simm.s32 $0xF800;
	s25 =	simm.s32 $0x1;
	s28 =	simm.s32 $0x2  }
0xa: {  	s30 =	simm.s32 $0x0;
	s1 =	sand.u32 $0x1, s1;
	s3 =	sshll.u32 s3, $0x1  }
0xb: {  	[smem:$0x7FF] =	sst s2;
	s4 =	sor.u32 s1, s3;
	s1 =	ssub.s32 $0x2, s1  }
0xc: {  	_ =	strace $0x80000047;
	s5 =	smul.u32 $0x1100, s4;
	s31 =	sshrl.u32 s1, $0x1  }
0xd: {  	s3 =	sadd.s32 $0x102400, s0;
	s4 =	sshll.u32 s4, $0xB;
	s1 =	ssub.s32 s1, s31  }
0xe: {  	s5 =	sadd.s32 s5, s0;
	s0 =	sadd.s32 s4, s0;
	s7 =	smax.u32 s1, $0x1  }
0xf: {  	v0 =	vimm.f32 $0.0e+00;
	s4 =	sadd.s32 $0x2400, s5;
	s5 =	sadd.s32 $0x24400, s0;
	s6 =	sadd.s32 $0x34400, s0  }
.LBB2_1:
0x10: {  	[tilespmem:s2], [sflag:$0x3] =	stream.linear.gather [hbm4b:s4+s2], $0x8800, $0x38;
	[tilespmem:$0x10800] =	vst v63  }
0x11: {  	_ =	swait.ge [sflag:s8], $0x8800  }
0x12: {  	[sflag:s8] =	ssyncset.done $0x0  }
0x13: {  	s0 =	simm.s32 $0x80;
	s31 =	simm.s32 $0x0;
	[sflag:s8] =	ssyncadd.s32 $0xFFFF7800  }
.LBB2_2:
0x14: {  	p0 =	sne.s32 s0, $0xFF80;
	[tilespmem:s31+$0xC810] =	vst v0;
	s1 =	smov.u32 s0;
	s0 =	sadd.s32 $0x80, s0  }
.Ltmp0:
0x15: {  	[tilespmem:s31+$0xC800] =	vst v0;
	(pc) =	sbr.rel @p0 .LBB2_2-.Ltmp0, $3  }
0x16: {  	[tilespmem:s31+$0x8800] =	vst v0  }
0x17: {  	[tilespmem:s31+$0x8810] =	vst v0;
	_ =	sdelay $0x1  }
0x18: {  	s31 =	sshra.s32 s1, $0x2  }
0x19: {  	[tilespmem:s31+$0xC810] =	vst v0  }
0x1a: {  	[tilespmem:s31+$0xC800] =	vst v0  }
0x1b: {  	[tilespmem:s31+$0x8800] =	vst v0  }
0x1c: {  	[tilespmem:s31+$0x8810] =	vst v0  }
0x1d: {  	[tilespmem:s10], [sflag:$0x1] =	stream.indirect.gather.add.f32 [hbm:s3], $0x20, s9, s9, $0xb8;
	[tilespmem:$0x10800] =	vst v63  }
0x1e: {  	s0 =	simm.s32 $0x100  }
0x1f: {  	[tilespmem:s10], [sflag:$0x1] =	stream.indirect.gather.add.f32 [hbm:s3], $0x20, s0, s9, $0xb8;
	[tilespmem:$0x10800] =	vst v63  }
0x20: {  	s1 =	simm.s32 $0x180  }
0x21: {  	[tilespmem:s10], [sflag:$0x1] =	stream.indirect.gather.add.f32 [hbm:s3], $0x20, s1, s9, $0xb8;
	[tilespmem:$0x10800] =	vst v63  }
0x22: {  	s1 =	simm.s32 $0x200  }
0x23: {  	[tilespmem:s10], [sflag:$0x1] =	stream.indirect.gather.add.f32 [hbm:s3], $0x20, s1, s9, $0xb8;
	[tilespmem:$0x10800] =	vst v63  }
0x24: {  	s1 =	simm.s32 $0x280  }
0x25: {  	[tilespmem:s10], [sflag:$0x1] =	stream.indirect.gather.add.f32 [hbm:s3], $0x20, s1, s9, $0xb8;
	[tilespmem:$0x10800] =	vst v63  }
0x26: {  	s1 =	simm.s32 $0x300  }
0x27: {  	[tilespmem:s10], [sflag:$0x1] =	stream.indirect.gather.add.f32 [hbm:s3], $0x20, s1, s9, $0xb8;
	[tilespmem:$0x10800] =	vst v63  }
0x28: {  	s31 =	simm.s32 $0x400;
	s0 =	simm.s32 $0x200;
	s1 =	simm.s32 $0x380  }
0x29: {  	[tilespmem:s10], [sflag:$0x1] =	stream.indirect.gather.add.f32 [hbm:s3], $0x20, s1, s9, $0xb8;
	[tilespmem:$0x10800] =	vst v63  }
.LBB2_4:
0x2a: {  	[tilespmem:s17], [sflag:$0x1] =	stream.indirect.gather.add.f32 [hbm:s3], $0x20, s31, s9, $0xb8;
	[tilespmem:$0x10800] =	vst v63  }
0x2b: {  	s1 =	smov.u32 s0;
	p0 =	sne.s32 s0, $0x7600  }
.Ltmp1:
0x2c: {  	s0 =	sadd.s32 $0x200, s0;
	(pc) =	sbr.rel @p0 .LBB2_4-.Ltmp1, $3  }
0x2d: {  	_ =	sdelay $0x1  }
0x2e: {  	s1 =	sshra.s32 s1, $0x2  }
0x2f: {  	s31 =	sadd.s32 $0x400, s1  }
0x30: {  	[tilespmem:s17], [sflag:$0x1] =	stream.indirect.gather.add.f32 [hbm:s3], $0x20, s31, s9, $0xb8;
	[tilespmem:$0x10800] =	vst v63  }
0x31: {  	s0 =	simm.s32 $0x2280  }
0x32: {  	[tilespmem:s19], [sflag:$0x1] =	stream.indirect.gather.add.f32 [hbm:s3], $0x20, s0, s9, $0xb8;
	[tilespmem:$0x10800] =	vst v63  }
0x33: {  	s1 =	simm.s32 $0x2300  }
0x34: {  	[tilespmem:s19], [sflag:$0x1] =	stream.indirect.gather.add.f32 [hbm:s3], $0x20, s1, s9, $0xb8;
	[tilespmem:$0x10800] =	vst v63  }
0x35: {  	s1 =	simm.s32 $0x2380  }
0x36: {  	[tilespmem:s19], [sflag:$0x1] =	stream.indirect.gather.add.f32 [hbm:s3], $0x20, s1, s9, $0xb8;
	[tilespmem:$0x10800] =	vst v63  }
0x37: {  	s1 =	simm.s32 $0x2400  }
0x38: {  	[tilespmem:s19], [sflag:$0x1] =	stream.indirect.gather.add.f32 [hbm:s3], $0x20, s1, s9, $0xb8;
	[tilespmem:$0x10800] =	vst v63  }
0x39: {  	s1 =	simm.s32 $0x2480  }
0x3a: {  	[tilespmem:s19], [sflag:$0x1] =	stream.indirect.gather.add.f32 [hbm:s3], $0x20, s1, s9, $0xb8;
	[tilespmem:$0x10800] =	vst v63  }
0x3b: {  	s1 =	simm.s32 $0x2500  }
0x3c: {  	[tilespmem:s19], [sflag:$0x1] =	stream.indirect.gather.add.f32 [hbm:s3], $0x20, s1, s9, $0xb8;
	[tilespmem:$0x10800] =	vst v63  }
0x3d: {  	s31 =	simm.s32 $0x2600;
	s0 =	simm.s32 $0x200;
	s1 =	simm.s32 $0x2580  }
0x3e: {  	[tilespmem:s19], [sflag:$0x1] =	stream.indirect.gather.add.f32 [hbm:s3], $0x20, s1, s9, $0xb8;
	[tilespmem:$0x10800] =	vst v63  }
.LBB2_6:
0x3f: {  	[tilespmem:s26], [sflag:$0x1] =	stream.indirect.gather.add.f32 [hbm:s3], $0x20, s31, s9, $0xb8;
	[tilespmem:$0x10800] =	vst v63  }
0x40: {  	s1 =	smov.u32 s0;
	p0 =	sne.s32 s0, $0x7600  }
.Ltmp2:
0x41: {  	s0 =	sadd.s32 $0x200, s0;
	(pc) =	sbr.rel @p0 .LBB2_6-.Ltmp2, $3  }
0x42: {  	_ =	sdelay $0x1  }
0x43: {  	s1 =	sshra.s32 s1, $0x2  }
0x44: {  	s31 =	sadd.s32 $0x2600, s1  }
0x45: {  	[tilespmem:s26], [sflag:$0x1] =	stream.indirect.gather.add.f32 [hbm:s3], $0x20, s31, s9, $0xb8;
	[tilespmem:$0x10800] =	vst v63  }
0x46: {  	s0 =	simm.s32 $0x4480  }
0x47: {  	[tilespmem:s29], [sflag:$0x1] =	stream.indirect.gather.add.f32 [hbm:s3], $0x20, s0, s9, $0xb8;
	[tilespmem:$0x10800] =	vst v63  }
0x48: {  	s1 =	simm.s32 $0x4500  }
0x49: {  	[tilespmem:s29], [sflag:$0x1] =	stream.indirect.gather.add.f32 [hbm:s3], $0x20, s1, s9, $0xb8;
	[tilespmem:$0x10800] =	vst v63  }
0x4a: {  	s1 =	simm.s32 $0x4580  }
0x4b: {  	[tilespmem:s29], [sflag:$0x1] =	stream.indirect.gather.add.f32 [hbm:s3], $0x20, s1, s9, $0xb8;
	[tilespmem:$0x10800] =	vst v63  }
0x4c: {  	s1 =	simm.s32 $0x4600  }
0x4d: {  	[tilespmem:s29], [sflag:$0x1] =	stream.indirect.gather.add.f32 [hbm:s3], $0x20, s1, s9, $0xb8;
	[tilespmem:$0x10800] =	vst v63  }
0x4e: {  	s1 =	simm.s32 $0x4680  }
0x4f: {  	[tilespmem:s29], [sflag:$0x1] =	stream.indirect.gather.add.f32 [hbm:s3], $0x20, s1, s9, $0xb8;
	[tilespmem:$0x10800] =	vst v63  }
0x50: {  	_ = 	snop  }
0x51: {  	[tilespmem:s29], [sflag:$0x1] =	stream.indirect.gather.add.f32 [hbm:s3], $0x20, s11, s9, $0xb8;
	[tilespmem:$0x10800] =	vst v63  }
0x52: {  	s31 =	simm.s32 $0x4800;
	s0 =	simm.s32 $0x200  }
0x53: {  	[tilespmem:s29], [sflag:$0x1] =	stream.indirect.gather.add.f32 [hbm:s3], $0x20, s12, s9, $0xb8;
	[tilespmem:$0x10800] =	vst v63  }
.LBB2_8:
0x54: {  	[tilespmem:s13], [sflag:$0x1] =	stream.indirect.gather.add.f32 [hbm:s3], $0x20, s31, s9, $0xb8;
	[tilespmem:$0x10800] =	vst v63  }
0x55: {  	s1 =	smov.u32 s0;
	p0 =	sne.s32 s0, $0x7600  }
.Ltmp3:
0x56: {  	s0 =	sadd.s32 $0x200, s0;
	(pc) =	sbr.rel @p0 .LBB2_8-.Ltmp3, $3  }
0x57: {  	_ =	sdelay $0x1  }
0x58: {  	s1 =	sshra.s32 s1, $0x2  }
0x59: {  	s31 =	sadd.s32 $0x4800, s1  }
0x5a: {  	[tilespmem:s13], [sflag:$0x1] =	stream.indirect.gather.add.f32 [hbm:s3], $0x20, s31, s9, $0xb8;
	[tilespmem:$0x10800] =	vst v63  }
0x5b: {  	_ = 	snop  }
0x5c: {  	[tilespmem:s15], [sflag:$0x1] =	stream.indirect.gather.add.f32 [hbm:s3], $0x20, s14, s9, $0xb8;
	[tilespmem:$0x10800] =	vst v63  }
0x5d: {  	_ = 	snop  }
0x5e: {  	[tilespmem:s15], [sflag:$0x1] =	stream.indirect.gather.add.f32 [hbm:s3], $0x20, s16, s9, $0xb8;
	[tilespmem:$0x10800] =	vst v63  }
0x5f: {  	_ = 	snop  }
0x60: {  	[tilespmem:s15], [sflag:$0x1] =	stream.indirect.gather.add.f32 [hbm:s3], $0x20, s18, s9, $0xb8;
	[tilespmem:$0x10800] =	vst v63  }
0x61: {  	_ = 	snop  }
0x62: {  	[tilespmem:s15], [sflag:$0x1] =	stream.indirect.gather.add.f32 [hbm:s3], $0x20, s20, s9, $0xb8;
	[tilespmem:$0x10800] =	vst v63  }
0x63: {  	_ = 	snop  }
0x64: {  	[tilespmem:s15], [sflag:$0x1] =	stream.indirect.gather.add.f32 [hbm:s3], $0x20, s21, s9, $0xb8;
	[tilespmem:$0x10800] =	vst v63  }
0x65: {  	_ = 	snop  }
0x66: {  	[tilespmem:s15], [sflag:$0x1] =	stream.indirect.gather.add.f32 [hbm:s3], $0x20, s22, s9, $0xb8;
	[tilespmem:$0x10800] =	vst v63  }
0x67: {  	s0 =	simm.s32 $0x0  }
0x68: {  	[tilespmem:s15], [sflag:$0x1] =	stream.indirect.gather.add.f32 [hbm:s3], $0x20, s23, s9, $0xb8;
	[tilespmem:$0x10800] =	vst v63  }
.LBB2_10:
0x69: {  	p0 =	sne.s32 s0, $0x7600  }
.Ltmp4:
0x6a: {  	_ = 	snop;
	(pc) =	sbr.rel @p0 .LBB2_10-.Ltmp4, $4  }
0x6b: {  	_ = 	snop  }
0x6c: {  	s1 =	sshra.s32 s0, $0x2  }
0x6d: {  	s0 =	sadd.s32 $0x200, s0;
	s1 =	sadd.s32 $0x6A00, s1  }
0x6e: {  	[tilespmem:s24], [sflag:$0x1] =	stream.indirect.gather.add.f32 [hbm:s3], $0x20, s1, s9, $0xb8;
	[tilespmem:$0x10800] =	vst v63  }
0x6f: {  	_ =	swait.ge [sflag:s25], $0x1000  }
0x70: {  	s0 =	simm.s32 $0x10B;
	[sflag:s25] =	ssyncset.done $0x0  }
.LBB2_12:
0x71: {  	p0 =	sne.s32 s0, $0x1;
	s0 =	sadd.s32 $0xFFFFFFFF, s0;
	[sflag:s25] =	ssyncadd.s32 $0xFFFFF000  }
.Ltmp5:
0x72: {  	(pc) =	sbr.rel @p0 .LBB2_12-.Ltmp5, $3  }
0x73: {  	_ =	sdelay $0x1  }
0x74: {  	_ =	swait.ge [sflag:s25], $0x1000  }
0x75: {  	[sflag:s25] =	ssyncset.done $0x0  }
0x76: {  	[sflag:s25] =	ssyncadd.s32 $0xFFFFF000  }
0x77: {  	[hbm4b:s5+s2] =	stream.linear.scatter [tilespmem:s10], [sflag:$0x2], $0x4000, $0x38;
	[tilespmem:$0x10800] =	vst v63  }
0x78: {  	s30 =	sadd.s32 $0x1, s30  }
0x79: {  	[hbm4b:s6+s2] =	stream.linear.scatter [tilespmem:s17], [sflag:$0x2], $0x4000, $0x38;
	[tilespmem:$0x10800] =	vst v63  }
0x7a: {  	p0 =	sne.s32 s30, s7;
	_ =	swait.ge [sflag:s28], $0x4000  }
.Ltmp6:
0x7b: {  	[sflag:s28] =	ssyncset.done $0x0;
	(pc) =	sbr.rel @p0 .LBB2_1-.Ltmp6, $4  }
0x7c: {  	[sflag:s28] =	ssyncadd.s32 $0xFFFFC000  }
0x7d: {  	_ =	swait.ge [sflag:s28], $0x4000  }
0x7e: {  	[sflag:s28] =	ssyncset.done $0x0  }
0x7f: {  	[sflag:s28] =	ssyncadd.s32 $0xFFFFC000  }
0x80: {  	_ =	sfence.sel $0x180000  }
0x81: {  	[bflag:$0x0] =	sbarrier.arrive $0xFFFF  }
0x82: {  	_ =	strace $0x90000047  }
0x83: {  	s0 =	stileid.u32;
	[bflag:$0x2] =	sbarrier.arrive $0xFFFF  }
0x84: {  	p0 =	sne.s32 s0, $0x0;
	s0 =	rddreg [dreg:$0x1]  }
0x85: {  	s0 =	sadd.s32 @!p0 $0x100000, s0  }
0x86: {  	[sflag:s0] =	ssyncadd.tile.s32 @!p0 $0x1;
	_ =	shalt  }
.Lfunc_end2:
_tile_overlayer_lowered:
.L_overlay_start_2:
0x87: {  	(tag) =	ssettag $0x2  }
0x88: {  	s0 =	rddreg [dreg:$0x0];
	s2 =	stileid.u32  }
0x89: {  	s1 =	rddreg [dreg:$0x1];
	p0 =	sne.s32 s2, $0x0  }
0x8a: {  	s3 =	rddreg [dreg:$0x2];
	[bflag:$0x3] =	sbarrier.arrive $0xFFFF;
	s2 =	simm.s32 @!p0 $0x1C03  }
0x8b: {  	[timem:s3], [sflag:s2] =	dma.local @!p0 [hbm:s0], s1  }
0x8c: {  	s0 =	simm.s32 @!p0 $0x3  }
0x8d: {  	_ =	swait.ge @!p0 [sflag:s0], s1  }
0x8e: {  	s1 =	ssub.s32 @!p0 $0x0, s1;
	[sflag:s0] =	ssyncset.done @!p0 $0x0  }
0x8f: {  	[sflag:s0] =	ssyncadd.s32 @!p0 s1  }
0x90: {  	[bflag:$0x3] =	sbarrier.arrive $0xFFFF  }
0x91: {  	_ =	shalt  }

</sc_bundles>
